<compile_context>
chip_gen: v7x
topology: tpu7x:2x2x1
jax: 0.10.2.dev20260603
libtpu: 0.0.44.dev20260713+nightly
codegen_flags: <defaults>
</compile_context>

<pallas_src>
import functools
import jax
import jax.numpy as jnp
from jax import lax
from jax.experimental import pallas as pl
from jax.experimental.pallas import tpu as pltpu
from jax.experimental.pallas import tpu_sc as plsc

_B, _N, _F, _D, _S = 256, 64, 9, 768, 16
_NG, _NS = 2, 2
_NA, _ND = 512, 512
_K = _NA + _ND
_NC, _NSUB = 2, 16
_NW = _NC * _NSUB
_RW = (_B * _N) // _NW
_CH = 8
_G = 10 * _CH

_BB = 16
_R = _BB * _N


def _sc_atom(idsf, tok, tab):
    mesh = plsc.VectorSubcoreMesh(core_axis_name="c", subcore_axis_name="s")

    @functools.partial(
        pl.kernel,
        mesh=mesh,
        out_type=jax.ShapeDtypeStruct((_B * _N, _D), jnp.float32),
        scratch_types=[
            pltpu.VMEM((_G,), jnp.int32),
            pltpu.VMEM((_G, _D), jnp.float32),
            pltpu.VMEM((_CH, _D), jnp.float32),
            pltpu.SemaphoreType.DMA,
        ],
    )
    def k(idsf_hbm, tok_hbm, tab_hbm, out_hbm, idx_v, rows_v, acc_v, sem):
        cid = lax.axis_index("c")
        sid = lax.axis_index("s")
        wid = sid * _NC + cid
        base = wid * _RW

        def chunk(ci, carry):
            rbase = base + ci * _CH
            pltpu.sync_copy(idsf_hbm.at[pl.ds(rbase * 10, _G)], idx_v)
            pltpu.async_copy(tab_hbm.at[idx_v], rows_v, sem).wait()
            pltpu.sync_copy(tok_hbm.at[pl.ds(rbase, _CH)], acc_v)

            for r in range(_CH):
                def dcol(v, c):
                    s = acc_v[r, pl.ds(v * 16, 16)]
                    for j in range(10):
                        s = s + rows_v[r * 10 + j, pl.ds(v * 16, 16)]
                    acc_v[r, pl.ds(v * 16, 16)] = s
                    return c
                lax.fori_loop(0, _D // 16, dcol, 0)

            pltpu.sync_copy(acc_v, out_hbm.at[pl.ds(rbase, _CH)])
            return carry

        lax.fori_loop(0, _RW // _CH, chunk, 0)

    return k(idsf, tok, tab)


def _tc_body(av_ref, gf_ref, gm_ref, gv_ref, sf_ref, sm_ref, sv_ref,
             vn_ref, gW_ref, gb_ref, sW_ref, sb_ref, out_ref):
    atom = av_ref[...]

    cls = jnp.broadcast_to(vn_ref[...], (_BB, _D))

    gf = gf_ref[...]
    gm = gm_ref[...]
    gv = gv_ref[...]
    gW = gW_ref[...]
    gb = gb_ref[...]
    glob = (gm[:, 0:1] * (gf[:, 0:1] * gW[0:1, :] + gb[0:1, :])
            + gm[:, 1:2] * (gf[:, 1:2] * gW[1:2, :] + gb[1:2, :]))
    glob = glob * gv

    sf = sf_ref[...]
    sm = sm_ref[...]
    sv = sv_ref[...]
    sW = sW_ref[...]
    sb = sb_ref[...]
    a0 = sv * sm[:, 0:1]
    a1 = sv * sm[:, 1:2]
    seg = ((a0 * sf[:, 0:1]) * sW[0:1, :] + a0 * sb[0:1, :]
           + (a1 * sf[:, 1:2]) * sW[1:2, :] + a1 * sb[1:2, :])

    out_ref[:, 0:1, :] = cls.reshape(_BB, 1, _D)
    out_ref[:, 1:2, :] = glob.reshape(_BB, 1, _D)
    out_ref[:, 2:2 + _S, :] = seg.reshape(_BB, _S, _D)
    out_ref[:, 2 + _S:, :] = atom.reshape(_BB, _N, _D)


def kernel(atom_feat, degree, segment_id, glob_feat, glob_mask, glob_valid_mask,
           seg_feat, seg_feat_mask, seg_valid_mask, token_feat, atom_table,
           degree_table, vnode, glob_W, glob_b, seg_W, seg_b):
    del segment_id
    dtype = token_feat.dtype
    idsf = jnp.concatenate(
        [atom_feat.reshape(_B * _N, _F), degree.reshape(_B * _N, 1) + _NA],
        axis=1).reshape(_B * _N * 10)
    tok = token_feat.reshape(_B * _N, _D)
    tab = jnp.concatenate([atom_table, degree_table], axis=0)

    atomvec = _sc_atom(idsf, tok, tab)

    sf = seg_feat.reshape(_B * _S, _NS)
    sm = seg_feat_mask.reshape(_B * _S, _NS)
    sv = seg_valid_mask.reshape(_B * _S, 1)

    grid = (_B // _BB,)
    out = pl.pallas_call(
        _tc_body,
        grid=grid,
        in_specs=[
            pl.BlockSpec((_R, _D), lambda i: (i, 0)),
            pl.BlockSpec((_BB, _NG), lambda i: (i, 0)),
            pl.BlockSpec((_BB, _NG), lambda i: (i, 0)),
            pl.BlockSpec((_BB, 1), lambda i: (i, 0)),
            pl.BlockSpec((_BB * _S, _NS), lambda i: (i, 0)),
            pl.BlockSpec((_BB * _S, _NS), lambda i: (i, 0)),
            pl.BlockSpec((_BB * _S, 1), lambda i: (i, 0)),
            pl.BlockSpec((1, _D), lambda i: (0, 0)),
            pl.BlockSpec((_NG, _D), lambda i: (0, 0)),
            pl.BlockSpec((_NG, _D), lambda i: (0, 0)),
            pl.BlockSpec((_NS, _D), lambda i: (0, 0)),
            pl.BlockSpec((_NS, _D), lambda i: (0, 0)),
        ],
        out_specs=pl.BlockSpec((_BB, 2 + _S + _N, _D), lambda i: (i, 0, 0)),
        out_shape=jax.ShapeDtypeStruct((_B, 2 + _S + _N, _D), dtype),
        compiler_params=pltpu.CompilerParams(
            dimension_semantics=("arbitrary",),
        ),
    )(atomvec, glob_feat, glob_mask, glob_valid_mask, sf, sm, sv,
      vnode, glob_W, glob_b, seg_W, seg_b)
    return out

# --- scband reference (transcript-rebuilt; emitter-appended) ---
"""Pipeline reference for scband-atom-feature-plus-22067541966977 (READ-ONLY COPY).

The authoritative reference and input builder live on the scoring server;
editing this copy changes nothing except your own understanding.
"""

import jax, jax.numpy as jnp
import numpy as np

B, N, F, D, S = 256, 64, 9, 768, 16
NUM_ATOM, NUM_DEGREE = 512, 512
NG, NS = 2, 2

def setup_inputs(seed: int = 0) -> dict:
    key = jax.random.key(seed)
    ks = jax.random.split(key, 18)
    inp = {}
    inp['atom_feat'] = jax.random.randint(ks[0], (B, N, F), 0, NUM_ATOM, dtype=jnp.int32)
    inp['degree'] = jax.random.randint(ks[1], (B, N), 0, NUM_DEGREE, dtype=jnp.int32)
    inp['segment_id'] = jax.random.randint(ks[2], (B, N), 0, 16, dtype=jnp.int32)
    inp['glob_feat'] = jax.random.normal(ks[3], (B, NG), dtype=jnp.float32)
    inp['glob_mask'] = jax.random.uniform(ks[4], (B, NG), dtype=jnp.float32)
    inp['glob_valid_mask'] = jnp.ones((B, 1), dtype=jnp.float32)
    inp['seg_feat'] = jax.random.normal(ks[5], (B, S, NS), dtype=jnp.float32)
    inp['seg_feat_mask'] = jax.random.uniform(ks[6], (B, S, NS), dtype=jnp.float32)
    inp['seg_valid_mask'] = jnp.ones((B, S), dtype=jnp.float32)
    inp['token_feat'] = jax.random.normal(ks[7], (B, N, D), dtype=jnp.float32)
    atom_table = jax.random.normal(ks[8], (NUM_ATOM, D), dtype=jnp.float32) * 0.02
    inp['atom_table'] = atom_table.at[0].set(0.0)  # padding_idx=0
    degree_table = jax.random.normal(ks[9], (NUM_DEGREE, D), dtype=jnp.float32) * 0.02
    inp['degree_table'] = degree_table.at[0].set(0.0)  # padding_idx=0
    inp['vnode'] = jax.random.normal(ks[10], (1, D), dtype=jnp.float32) * 0.02
    inp['glob_W'] = jax.random.normal(ks[11], (NG, D), dtype=jnp.float32) * 0.05
    inp['glob_b'] = jnp.zeros((NG, D), dtype=jnp.float32)
    inp['seg_W'] = jax.random.normal(ks[12], (NS, D), dtype=jnp.float32) * 0.05
    inp['seg_b'] = jnp.zeros((NS, D), dtype=jnp.float32)
    return inp

def reference(atom_feat, degree, segment_id, glob_feat, glob_mask, glob_valid_mask, seg_feat, seg_feat_mask, seg_valid_mask, token_feat, atom_table, degree_table, vnode, glob_W, glob_b, seg_W, seg_b):
    dtype = token_feat.dtype
    # atom embedding: gather [B,N,F,D], sum over feature axis, add degree embedding and token_feat
    atom_emb = jnp.take(atom_table, atom_feat, axis=0)
    atom_vec = atom_emb.sum(axis=-2) + jnp.take(degree_table, degree, axis=0)
    atom_vec = atom_vec + token_feat
    # global scalar features -> per-graph vector
    glob_vec = jnp.zeros((B, D), dtype=dtype)
    for i in range(NG):
        val = glob_feat[:, i:i+1]
        gmsk = glob_mask[:, i:i+1]
        glob_vec = glob_vec + gmsk * (val * glob_W[i][None, :] + glob_b[i][None, :])
    glob_vec = glob_vec * glob_valid_mask
    glob_vec = glob_vec[:, None, :]
    # segment scalar features -> per-segment vectors
    seg_vec = jnp.zeros((B, S, D), dtype=dtype)
    for j in range(NS):
        val = seg_feat[:, :, j:j+1]
        smsk = seg_feat_mask[:, :, j:j+1]
        seg_vec = seg_vec + smsk * (val * seg_W[j][None, None, :] + seg_b[j][None, None, :])
    seg_vec = seg_vec * seg_valid_mask[:, :, None]
    cls_vec = jnp.broadcast_to(vnode[None, :, :], (B, 1, D))
    graph_node_feature = jnp.concatenate([cls_vec, glob_vec, seg_vec, atom_vec], axis=1).astype(dtype)
    return graph_node_feature

if __name__ == "__main__":
    import jax
    _d = setup_inputs()
    print(jax.jit(kernel)(*tuple(_d.values())))

</pallas_src>

<mosaic_0001>
#map = affine_map<(d0, d1) -> (0)>
#map1 = affine_map<(d0, d1) -> (0, 0)>
module attributes {stable_mosaic.version = 14 : i64} {
  func.func @k(%arg0: i32, %arg1: i32, %arg2: memref<163840xi32, #tpu.memory_space<hbm>>, %arg3: memref<16384x768xf32, #tpu.memory_space<hbm>>, %arg4: memref<1024x768xf32, #tpu.memory_space<hbm>>, %arg5: memref<16384x768xf32, #tpu.memory_space<hbm>>, %arg6: memref<80xi32, #tpu.memory_space<vmem>>, %arg7: memref<80x768xf32, #tpu.memory_space<vmem>>, %arg8: memref<8x768xf32, #tpu.memory_space<vmem>>, %arg9: memref<!tpu.dma_semaphore, #tpu.memory_space<semaphore_mem>>) attributes {dimension_semantics = [#tpu.dimension_semantics<core_parallel>, #tpu.dimension_semantics<subcore_parallel>], iteration_bounds = array<i64: 2, 16>, scalar_prefetch = 0 : i64, scratch_operands = 4 : i64, tpu.core_type = #tpu.core_type<sc_vector_subcore>, window_params = [{transform_indices = #map}, {transform_indices = #map1}, {transform_indices = #map1}, {transform_indices = #map1}]} {
    %mul3A = arith.constant 2 : i32
    %mul3A_0 = arith.muli %arg1, %mul3A : i32
    %add3A = arith.addi %mul3A_0, %arg0 : i32
    %mul3A_1 = arith.constant 512 : i32
    %mul3A_2 = arith.muli %add3A, %mul3A_1 : i32
    %scan3A = arith.constant 0 : i32
    %scan3A_3 = arith.constant 0 : i32
    %scan3A_4 = arith.constant 64 : i32
    %scan3A_5 = arith.addi %scan3A_3, %scan3A_4 : i32
    %scan3A_6 = arith.constant 1 : i32
    scf.for %scan3A_8 = %scan3A_3 to %scan3A_5 step %scan3A_6  : i32 {
      %mul3A_9 = arith.constant 8 : i32
      %mul3A_10 = arith.muli %scan3A_8, %mul3A_9 : i32
      %add3A_11 = arith.addi %mul3A_2, %mul3A_10 : i32
      %mul3A_12 = arith.constant 10 : i32
      %mul3A_13 = arith.muli %add3A_11, %mul3A_12 : i32
      "tpu.region"() ({
        %run_scoped3A = tpu.sem_alloc : memref<!tpu.dma_semaphore, #tpu.memory_space<semaphore_mem>>
        %dma_start3A_66 = tpu.memref_slice %arg2[%mul3A_13] : memref<163840xi32, #tpu.memory_space<hbm>> -> memref<80xi32, #tpu.memory_space<hbm>>
        %dma_start3A_67 = tpu.memref_slice %arg2[%mul3A_13] : memref<163840xi32, #tpu.memory_space<hbm>> -> memref<80xi32, #tpu.memory_space<hbm>>
        tpu.enqueue_dma source(%dma_start3A_67 : memref<80xi32, #tpu.memory_space<hbm>>) target(%arg6 : memref<80xi32, #tpu.memory_space<vmem>>) target_semaphore(%run_scoped3A : memref<!tpu.dma_semaphore, #tpu.memory_space<semaphore_mem>>)
        %dma_wait3A_68 = tpu.memref_slice %arg2[%mul3A_13] : memref<163840xi32, #tpu.memory_space<hbm>> -> memref<80xi32, #tpu.memory_space<hbm>>
        %dma_wait3A_69 = tpu.memref_slice %arg2[%mul3A_13] : memref<163840xi32, #tpu.memory_space<hbm>> -> memref<80xi32, #tpu.memory_space<hbm>>
        tpu.wait_dma2 semaphore(%run_scoped3A : memref<!tpu.dma_semaphore, #tpu.memory_space<semaphore_mem>>) src(%dma_wait3A_69 : memref<80xi32, #tpu.memory_space<hbm>>) dst(%arg6 : memref<80xi32, #tpu.memory_space<vmem>>)
        tpu.yield
      }) : () -> ()
      %dma_start3A = arith.constant 0 : i32
      %dma_start3A_14 = arith.constant 0 : i32
      %dma_start3A_15 = tpu.memref_slice %arg4[%dma_start3A, %dma_start3A_14] : memref<1024x768xf32, #tpu.memory_space<hbm>> -> memref<1024x768xf32, #tpu.memory_space<hbm>>
      tpu.enqueue_indirect_dma source(%dma_start3A_15 : memref<1024x768xf32, #tpu.memory_space<hbm>>) target(%arg7 : memref<80x768xf32, #tpu.memory_space<vmem>>) offsets(%arg6 : memref<80xi32, #tpu.memory_space<vmem>>) semaphore(%arg9 : memref<!tpu.dma_semaphore, #tpu.memory_space<semaphore_mem>>)
      %dma_wait3A = arith.constant 0 : i32
      %dma_wait3A_16 = arith.constant 0 : i32
      %dma_wait3A_17 = tpu.memref_slice %arg4[%dma_wait3A, %dma_wait3A_16] : memref<1024x768xf32, #tpu.memory_space<hbm>> -> memref<1024x768xf32, #tpu.memory_space<hbm>>
      tpu.wait_indirect_dma semaphore(%arg9 : memref<!tpu.dma_semaphore, #tpu.memory_space<semaphore_mem>>) src(%dma_wait3A_17 : memref<1024x768xf32, #tpu.memory_space<hbm>>) dst(%arg7 : memref<80x768xf32, #tpu.memory_space<vmem>>)
      "tpu.region"() ({
        %run_scoped3A = tpu.sem_alloc : memref<!tpu.dma_semaphore, #tpu.memory_space<semaphore_mem>>
        %dma_start3A_66 = arith.constant 0 : i32
        %dma_start3A_67 = tpu.memref_slice %arg3[%add3A_11, %dma_start3A_66] : memref<16384x768xf32, #tpu.memory_space<hbm>> -> memref<8x768xf32, #tpu.memory_space<hbm>>
        %dma_start3A_68 = arith.constant 0 : i32
        %dma_start3A_69 = tpu.memref_slice %arg3[%add3A_11, %dma_start3A_68] : memref<16384x768xf32, #tpu.memory_space<hbm>> -> memref<8x768xf32, #tpu.memory_space<hbm>>
        tpu.enqueue_dma source(%dma_start3A_69 : memref<8x768xf32, #tpu.memory_space<hbm>>) target(%arg8 : memref<8x768xf32, #tpu.memory_space<vmem>>) target_semaphore(%run_scoped3A : memref<!tpu.dma_semaphore, #tpu.memory_space<semaphore_mem>>)
        %dma_wait3A_70 = arith.constant 0 : i32
        %dma_wait3A_71 = tpu.memref_slice %arg3[%add3A_11, %dma_wait3A_70] : memref<16384x768xf32, #tpu.memory_space<hbm>> -> memref<8x768xf32, #tpu.memory_space<hbm>>
        %dma_wait3A_72 = arith.constant 0 : i32
        %dma_wait3A_73 = tpu.memref_slice %arg3[%add3A_11, %dma_wait3A_72] : memref<16384x768xf32, #tpu.memory_space<hbm>> -> memref<8x768xf32, #tpu.memory_space<hbm>>
        tpu.wait_dma2 semaphore(%run_scoped3A : memref<!tpu.dma_semaphore, #tpu.memory_space<semaphore_mem>>) src(%dma_wait3A_73 : memref<8x768xf32, #tpu.memory_space<hbm>>) dst(%arg8 : memref<8x768xf32, #tpu.memory_space<vmem>>)
        tpu.yield
      }) : () -> ()
      %scan3A_18 = arith.constant 0 : i32
      %scan3A_19 = arith.constant 0 : i32
      %scan3A_20 = arith.constant 48 : i32
      %scan3A_21 = arith.addi %scan3A_19, %scan3A_20 : i32
      %scan3A_22 = arith.constant 1 : i32
      scf.for %scan3A_66 = %scan3A_19 to %scan3A_21 step %scan3A_22  : i32 {
        %mul3A_67 = arith.constant 16 : i32
        %mul3A_68 = arith.muli %scan3A_66, %mul3A_67 : i32
        %get3A = arith.constant 0 : i32
        %get3A_69 = arith.index_cast %get3A : i32 to index
        %get3A_70 = arith.index_cast %mul3A_68 : i32 to index
        %get3A_71 = tpu.vector_load %arg8[%get3A_69, %get3A_70] {strides = array<i32>} : memref<8x768xf32, #tpu.memory_space<vmem>>, vector<1x16xf32>,
        %get3A_72 = vector.shape_cast %get3A_71 : vector<1x16xf32> to vector<16xf32>
        %mul3A_73 = arith.constant 16 : i32
        %mul3A_74 = arith.muli %scan3A_66, %mul3A_73 : i32
        %get3A_75 = arith.constant 0 : i32
        %get3A_76 = arith.index_cast %get3A_75 : i32 to index
        %get3A_77 = arith.index_cast %mul3A_74 : i32 to index
        %get3A_78 = tpu.vector_load %arg7[%get3A_76, %get3A_77] {strides = array<i32>} : memref<80x768xf32, #tpu.memory_space<vmem>>, vector<1x16xf32>,
        %get3A_79 = vector.shape_cast %get3A_78 : vector<1x16xf32> to vector<16xf32>
        %add3A_80 = arith.addf %get3A_72, %get3A_79 : vector<16xf32>
        %mul3A_81 = arith.constant 16 : i32
        %mul3A_82 = arith.muli %scan3A_66, %mul3A_81 : i32
        %get3A_83 = arith.constant 1 : i32
        %get3A_84 = arith.index_cast %get3A_83 : i32 to index
        %get3A_85 = arith.index_cast %mul3A_82 : i32 to index
        %get3A_86 = tpu.vector_load %arg7[%get3A_84, %get3A_85] {strides = array<i32>} : memref<80x768xf32, #tpu.memory_space<vmem>>, vector<1x16xf32>,
        %get3A_87 = vector.shape_cast %get3A_86 : vector<1x16xf32> to vector<16xf32>
        %add3A_88 = arith.addf %add3A_80, %get3A_87 : vector<16xf32>
        %mul3A_89 = arith.constant 16 : i32
        %mul3A_90 = arith.muli %scan3A_66, %mul3A_89 : i32
        %get3A_91 = arith.constant 2 : i32
        %get3A_92 = arith.index_cast %get3A_91 : i32 to index
        %get3A_93 = arith.index_cast %mul3A_90 : i32 to index
        %get3A_94 = tpu.vector_load %arg7[%get3A_92, %get3A_93] {strides = array<i32>} : memref<80x768xf32, #tpu.memory_space<vmem>>, vector<1x16xf32>,
        %get3A_95 = vector.shape_cast %get3A_94 : vector<1x16xf32> to vector<16xf32>
        %add3A_96 = arith.addf %add3A_88, %get3A_95 : vector<16xf32>
        %mul3A_97 = arith.constant 16 : i32
        %mul3A_98 = arith.muli %scan3A_66, %mul3A_97 : i32
        %get3A_99 = arith.constant 3 : i32
        %get3A_100 = arith.index_cast %get3A_99 : i32 to index
        %get3A_101 = arith.index_cast %mul3A_98 : i32 to index
        %get3A_102 = tpu.vector_load %arg7[%get3A_100, %get3A_101] {strides = array<i32>} : memref<80x768xf32, #tpu.memory_space<vmem>>, vector<1x16xf32>,
        %get3A_103 = vector.shape_cast %get3A_102 : vector<1x16xf32> to vector<16xf32>
        %add3A_104 = arith.addf %add3A_96, %get3A_103 : vector<16xf32>
        %mul3A_105 = arith.constant 16 : i32
        %mul3A_106 = arith.muli %scan3A_66, %mul3A_105 : i32
        %get3A_107 = arith.constant 4 : i32
        %get3A_108 = arith.index_cast %get3A_107 : i32 to index
        %get3A_109 = arith.index_cast %mul3A_106 : i32 to index
        %get3A_110 = tpu.vector_load %arg7[%get3A_108, %get3A_109] {strides = array<i32>} : memref<80x768xf32, #tpu.memory_space<vmem>>, vector<1x16xf32>,
        %get3A_111 = vector.shape_cast %get3A_110 : vector<1x16xf32> to vector<16xf32>
        %add3A_112 = arith.addf %add3A_104, %get3A_111 : vector<16xf32>
        %mul3A_113 = arith.constant 16 : i32
        %mul3A_114 = arith.muli %scan3A_66, %mul3A_113 : i32
        %get3A_115 = arith.constant 5 : i32
        %get3A_116 = arith.index_cast %get3A_115 : i32 to index
        %get3A_117 = arith.index_cast %mul3A_114 : i32 to index
        %get3A_118 = tpu.vector_load %arg7[%get3A_116, %get3A_117] {strides = array<i32>} : memref<80x768xf32, #tpu.memory_space<vmem>>, vector<1x16xf32>,
        %get3A_119 = vector.shape_cast %get3A_118 : vector<1x16xf32> to vector<16xf32>
        %add3A_120 = arith.addf %add3A_112, %get3A_119 : vector<16xf32>
        %mul3A_121 = arith.constant 16 : i32
        %mul3A_122 = arith.muli %scan3A_66, %mul3A_121 : i32
        %get3A_123 = arith.constant 6 : i32
        %get3A_124 = arith.index_cast %get3A_123 : i32 to index
        %get3A_125 = arith.index_cast %mul3A_122 : i32 to index
        %get3A_126 = tpu.vector_load %arg7[%get3A_124, %get3A_125] {strides = array<i32>} : memref<80x768xf32, #tpu.memory_space<vmem>>, vector<1x16xf32>,
        %get3A_127 = vector.shape_cast %get3A_126 : vector<1x16xf32> to vector<16xf32>
        %add3A_128 = arith.addf %add3A_120, %get3A_127 : vector<16xf32>
        %mul3A_129 = arith.constant 16 : i32
        %mul3A_130 = arith.muli %scan3A_66, %mul3A_129 : i32
        %get3A_131 = arith.constant 7 : i32
        %get3A_132 = arith.index_cast %get3A_131 : i32 to index
        %get3A_133 = arith.index_cast %mul3A_130 : i32 to index
        %get3A_134 = tpu.vector_load %arg7[%get3A_132, %get3A_133] {strides = array<i32>} : memref<80x768xf32, #tpu.memory_space<vmem>>, vector<1x16xf32>,
        %get3A_135 = vector.shape_cast %get3A_134 : vector<1x16xf32> to vector<16xf32>
        %add3A_136 = arith.addf %add3A_128, %get3A_135 : vector<16xf32>
        %mul3A_137 = arith.constant 16 : i32
        %mul3A_138 = arith.muli %scan3A_66, %mul3A_137 : i32
        %get3A_139 = arith.constant 8 : i32
        %get3A_140 = arith.index_cast %get3A_139 : i32 to index
        %get3A_141 = arith.index_cast %mul3A_138 : i32 to index
        %get3A_142 = tpu.vector_load %arg7[%get3A_140, %get3A_141] {strides = array<i32>} : memref<80x768xf32, #tpu.memory_space<vmem>>, vector<1x16xf32>,
        %get3A_143 = vector.shape_cast %get3A_142 : vector<1x16xf32> to vector<16xf32>
        %add3A_144 = arith.addf %add3A_136, %get3A_143 : vector<16xf32>
        %mul3A_145 = arith.constant 16 : i32
        %mul3A_146 = arith.muli %scan3A_66, %mul3A_145 : i32
        %get3A_147 = arith.constant 9 : i32
        %get3A_148 = arith.index_cast %get3A_147 : i32 to index
        %get3A_149 = arith.index_cast %mul3A_146 : i32 to index
        %get3A_150 = tpu.vector_load %arg7[%get3A_148, %get3A_149] {strides = array<i32>} : memref<80x768xf32, #tpu.memory_space<vmem>>, vector<1x16xf32>,
        %get3A_151 = vector.shape_cast %get3A_150 : vector<1x16xf32> to vector<16xf32>
        %add3A_152 = arith.addf %add3A_144, %get3A_151 : vector<16xf32>
        %mul3A_153 = arith.constant 16 : i32
        %mul3A_154 = arith.muli %scan3A_66, %mul3A_153 : i32
        %swap3A = arith.constant 0 : i32
        %swap3A_155 = arith.index_cast %swap3A : i32 to index
        %swap3A_156 = arith.index_cast %mul3A_154 : i32 to index
        %swap3A_157 = tpu.vector_load %arg8[%swap3A_155, %swap3A_156] {strides = array<i32>} : memref<8x768xf32, #tpu.memory_space<vmem>>, vector<1x16xf32>,
        %swap3A_158 = vector.shape_cast %swap3A_157 : vector<1x16xf32> to vector<16xf32>
        %swap3A_159 = vector.shape_cast %add3A_152 : vector<16xf32> to vector<1x16xf32>
        tpu.vector_store %arg8[%swap3A_155, %swap3A_156], %swap3A_159 {strides = array<i32>} : memref<8x768xf32, #tpu.memory_space<vmem>>, vector<1x16xf32>,
      }
      %scan3A_23 = arith.constant 48 : i32
      %scan3A_24 = arith.constant 0 : i32
      %scan3A_25 = arith.constant 0 : i32
      %scan3A_26 = arith.constant 48 : i32
      %scan3A_27 = arith.addi %scan3A_25, %scan3A_26 : i32
      %scan3A_28 = arith.constant 1 : i32
      scf.for %scan3A_66 = %scan3A_25 to %scan3A_27 step %scan3A_28  : i32 {
        %mul3A_67 = arith.constant 16 : i32
        %mul3A_68 = arith.muli %scan3A_66, %mul3A_67 : i32
        %get3A = arith.constant 1 : i32
        %get3A_69 = arith.index_cast %get3A : i32 to index
        %get3A_70 = arith.index_cast %mul3A_68 : i32 to index
        %get3A_71 = tpu.vector_load %arg8[%get3A_69, %get3A_70] {strides = array<i32>} : memref<8x768xf32, #tpu.memory_space<vmem>>, vector<1x16xf32>,
        %get3A_72 = vector.shape_cast %get3A_71 : vector<1x16xf32> to vector<16xf32>
        %mul3A_73 = arith.constant 16 : i32
        %mul3A_74 = arith.muli %scan3A_66, %mul3A_73 : i32
        %get3A_75 = arith.constant 10 : i32
        %get3A_76 = arith.index_cast %get3A_75 : i32 to index
        %get3A_77 = arith.index_cast %mul3A_74 : i32 to index
        %get3A_78 = tpu.vector_load %arg7[%get3A_76, %get3A_77] {strides = array<i32>} : memref<80x768xf32, #tpu.memory_space<vmem>>, vector<1x16xf32>,
        %get3A_79 = vector.shape_cast %get3A_78 : vector<1x16xf32> to vector<16xf32>
        %add3A_80 = arith.addf %get3A_72, %get3A_79 : vector<16xf32>
        %mul3A_81 = arith.constant 16 : i32
        %mul3A_82 = arith.muli %scan3A_66, %mul3A_81 : i32
        %get3A_83 = arith.constant 11 : i32
        %get3A_84 = arith.index_cast %get3A_83 : i32 to index
        %get3A_85 = arith.index_cast %mul3A_82 : i32 to index
        %get3A_86 = tpu.vector_load %arg7[%get3A_84, %get3A_85] {strides = array<i32>} : memref<80x768xf32, #tpu.memory_space<vmem>>, vector<1x16xf32>,
        %get3A_87 = vector.shape_cast %get3A_86 : vector<1x16xf32> to vector<16xf32>
        %add3A_88 = arith.addf %add3A_80, %get3A_87 : vector<16xf32>
        %mul3A_89 = arith.constant 16 : i32
        %mul3A_90 = arith.muli %scan3A_66, %mul3A_89 : i32
        %get3A_91 = arith.constant 12 : i32
        %get3A_92 = arith.index_cast %get3A_91 : i32 to index
        %get3A_93 = arith.index_cast %mul3A_90 : i32 to index
        %get3A_94 = tpu.vector_load %arg7[%get3A_92, %get3A_93] {strides = array<i32>} : memref<80x768xf32, #tpu.memory_space<vmem>>, vector<1x16xf32>,
        %get3A_95 = vector.shape_cast %get3A_94 : vector<1x16xf32> to vector<16xf32>
        %add3A_96 = arith.addf %add3A_88, %get3A_95 : vector<16xf32>
        %mul3A_97 = arith.constant 16 : i32
        %mul3A_98 = arith.muli %scan3A_66, %mul3A_97 : i32
        %get3A_99 = arith.constant 13 : i32
        %get3A_100 = arith.index_cast %get3A_99 : i32 to index
        %get3A_101 = arith.index_cast %mul3A_98 : i32 to index
        %get3A_102 = tpu.vector_load %arg7[%get3A_100, %get3A_101] {strides = array<i32>} : memref<80x768xf32, #tpu.memory_space<vmem>>, vector<1x16xf32>,
        %get3A_103 = vector.shape_cast %get3A_102 : vector<1x16xf32> to vector<16xf32>
        %add3A_104 = arith.addf %add3A_96, %get3A_103 : vector<16xf32>
        %mul3A_105 = arith.constant 16 : i32
        %mul3A_106 = arith.muli %scan3A_66, %mul3A_105 : i32
        %get3A_107 = arith.constant 14 : i32
        %get3A_108 = arith.index_cast %get3A_107 : i32 to index
        %get3A_109 = arith.index_cast %mul3A_106 : i32 to index
        %get3A_110 = tpu.vector_load %arg7[%get3A_108, %get3A_109] {strides = array<i32>} : memref<80x768xf32, #tpu.memory_space<vmem>>, vector<1x16xf32>,
        %get3A_111 = vector.shape_cast %get3A_110 : vector<1x16xf32> to vector<16xf32>
        %add3A_112 = arith.addf %add3A_104, %get3A_111 : vector<16xf32>
        %mul3A_113 = arith.constant 16 : i32
        %mul3A_114 = arith.muli %scan3A_66, %mul3A_113 : i32
        %get3A_115 = arith.constant 15 : i32
        %get3A_116 = arith.index_cast %get3A_115 : i32 to index
        %get3A_117 = arith.index_cast %mul3A_114 : i32 to index
        %get3A_118 = tpu.vector_load %arg7[%get3A_116, %get3A_117] {strides = array<i32>} : memref<80x768xf32, #tpu.memory_space<vmem>>, vector<1x16xf32>,
        %get3A_119 = vector.shape_cast %get3A_118 : vector<1x16xf32> to vector<16xf32>
        %add3A_120 = arith.addf %add3A_112, %get3A_119 : vector<16xf32>
        %mul3A_121 = arith.constant 16 : i32
        %mul3A_122 = arith.muli %scan3A_66, %mul3A_121 : i32
        %get3A_123 = arith.constant 16 : i32
        %get3A_124 = arith.index_cast %get3A_123 : i32 to index
        %get3A_125 = arith.index_cast %mul3A_122 : i32 to index
        %get3A_126 = tpu.vector_load %arg7[%get3A_124, %get3A_125] {strides = array<i32>} : memref<80x768xf32, #tpu.memory_space<vmem>>, vector<1x16xf32>,
        %get3A_127 = vector.shape_cast %get3A_126 : vector<1x16xf32> to vector<16xf32>
        %add3A_128 = arith.addf %add3A_120, %get3A_127 : vector<16xf32>
        %mul3A_129 = arith.constant 16 : i32
        %mul3A_130 = arith.muli %scan3A_66, %mul3A_129 : i32
        %get3A_131 = arith.constant 17 : i32
        %get3A_132 = arith.index_cast %get3A_131 : i32 to index
        %get3A_133 = arith.index_cast %mul3A_130 : i32 to index
        %get3A_134 = tpu.vector_load %arg7[%get3A_132, %get3A_133] {strides = array<i32>} : memref<80x768xf32, #tpu.memory_space<vmem>>, vector<1x16xf32>,
        %get3A_135 = vector.shape_cast %get3A_134 : vector<1x16xf32> to vector<16xf32>
        %add3A_136 = arith.addf %add3A_128, %get3A_135 : vector<16xf32>
        %mul3A_137 = arith.constant 16 : i32
        %mul3A_138 = arith.muli %scan3A_66, %mul3A_137 : i32
        %get3A_139 = arith.constant 18 : i32
        %get3A_140 = arith.index_cast %get3A_139 : i32 to index
        %get3A_141 = arith.index_cast %mul3A_138 : i32 to index
        %get3A_142 = tpu.vector_load %arg7[%get3A_140, %get3A_141] {strides = array<i32>} : memref<80x768xf32, #tpu.memory_space<vmem>>, vector<1x16xf32>,
        %get3A_143 = vector.shape_cast %get3A_142 : vector<1x16xf32> to vector<16xf32>
        %add3A_144 = arith.addf %add3A_136, %get3A_143 : vector<16xf32>
        %mul3A_145 = arith.constant 16 : i32
        %mul3A_146 = arith.muli %scan3A_66, %mul3A_145 : i32
        %get3A_147 = arith.constant 19 : i32
        %get3A_148 = arith.index_cast %get3A_147 : i32 to index
        %get3A_149 = arith.index_cast %mul3A_146 : i32 to index
        %get3A_150 = tpu.vector_load %arg7[%get3A_148, %get3A_149] {strides = array<i32>} : memref<80x768xf32, #tpu.memory_space<vmem>>, vector<1x16xf32>,
        %get3A_151 = vector.shape_cast %get3A_150 : vector<1x16xf32> to vector<16xf32>
        %add3A_152 = arith.addf %add3A_144, %get3A_151 : vector<16xf32>
        %mul3A_153 = arith.constant 16 : i32
        %mul3A_154 = arith.muli %scan3A_66, %mul3A_153 : i32
        %swap3A = arith.constant 1 : i32
        %swap3A_155 = arith.index_cast %swap3A : i32 to index
        %swap3A_156 = arith.index_cast %mul3A_154 : i32 to index
        %swap3A_157 = tpu.vector_load %arg8[%swap3A_155, %swap3A_156] {strides = array<i32>} : memref<8x768xf32, #tpu.memory_space<vmem>>, vector<1x16xf32>,
        %swap3A_158 = vector.shape_cast %swap3A_157 : vector<1x16xf32> to vector<16xf32>
        %swap3A_159 = vector.shape_cast %add3A_152 : vector<16xf32> to vector<1x16xf32>
        tpu.vector_store %arg8[%swap3A_155, %swap3A_156], %swap3A_159 {strides = array<i32>} : memref<8x768xf32, #tpu.memory_space<vmem>>, vector<1x16xf32>,
      }
      %scan3A_29 = arith.constant 48 : i32
      %scan3A_30 = arith.constant 0 : i32
      %scan3A_31 = arith.constant 0 : i32
      %scan3A_32 = arith.constant 48 : i32
      %scan3A_33 = arith.addi %scan3A_31, %scan3A_32 : i32
      %scan3A_34 = arith.constant 1 : i32
      scf.for %scan3A_66 = %scan3A_31 to %scan3A_33 step %scan3A_34  : i32 {
        %mul3A_67 = arith.constant 16 : i32
        %mul3A_68 = arith.muli %scan3A_66, %mul3A_67 : i32
        %get3A = arith.constant 2 : i32
        %get3A_69 = arith.index_cast %get3A : i32 to index
        %get3A_70 = arith.index_cast %mul3A_68 : i32 to index
        %get3A_71 = tpu.vector_load %arg8[%get3A_69, %get3A_70] {strides = array<i32>} : memref<8x768xf32, #tpu.memory_space<vmem>>, vector<1x16xf32>,
        %get3A_72 = vector.shape_cast %get3A_71 : vector<1x16xf32> to vector<16xf32>
        %mul3A_73 = arith.constant 16 : i32
        %mul3A_74 = arith.muli %scan3A_66, %mul3A_73 : i32
        %get3A_75 = arith.constant 20 : i32
        %get3A_76 = arith.index_cast %get3A_75 : i32 to index
        %get3A_77 = arith.index_cast %mul3A_74 : i32 to index
        %get3A_78 = tpu.vector_load %arg7[%get3A_76, %get3A_77] {strides = array<i32>} : memref<80x768xf32, #tpu.memory_space<vmem>>, vector<1x16xf32>,
        %get3A_79 = vector.shape_cast %get3A_78 : vector<1x16xf32> to vector<16xf32>
        %add3A_80 = arith.addf %get3A_72, %get3A_79 : vector<16xf32>
        %mul3A_81 = arith.constant 16 : i32
        %mul3A_82 = arith.muli %scan3A_66, %mul3A_81 : i32
        %get3A_83 = arith.constant 21 : i32
        %get3A_84 = arith.index_cast %get3A_83 : i32 to index
        %get3A_85 = arith.index_cast %mul3A_82 : i32 to index
        %get3A_86 = tpu.vector_load %arg7[%get3A_84, %get3A_85] {strides = array<i32>} : memref<80x768xf32, #tpu.memory_space<vmem>>, vector<1x16xf32>,
        %get3A_87 = vector.shape_cast %get3A_86 : vector<1x16xf32> to vector<16xf32>
        %add3A_88 = arith.addf %add3A_80, %get3A_87 : vector<16xf32>
        %mul3A_89 = arith.constant 16 : i32
        %mul3A_90 = arith.muli %scan3A_66, %mul3A_89 : i32
        %get3A_91 = arith.constant 22 : i32
        %get3A_92 = arith.index_cast %get3A_91 : i32 to index
        %get3A_93 = arith.index_cast %mul3A_90 : i32 to index
        %get3A_94 = tpu.vector_load %arg7[%get3A_92, %get3A_93] {strides = array<i32>} : memref<80x768xf32, #tpu.memory_space<vmem>>, vector<1x16xf32>,
        %get3A_95 = vector.shape_cast %get3A_94 : vector<1x16xf32> to vector<16xf32>
        %add3A_96 = arith.addf %add3A_88, %get3A_95 : vector<16xf32>
        %mul3A_97 = arith.constant 16 : i32
        %mul3A_98 = arith.muli %scan3A_66, %mul3A_97 : i32
        %get3A_99 = arith.constant 23 : i32
        %get3A_100 = arith.index_cast %get3A_99 : i32 to index
        %get3A_101 = arith.index_cast %mul3A_98 : i32 to index
        %get3A_102 = tpu.vector_load %arg7[%get3A_100, %get3A_101] {strides = array<i32>} : memref<80x768xf32, #tpu.memory_space<vmem>>, vector<1x16xf32>,
        %get3A_103 = vector.shape_cast %get3A_102 : vector<1x16xf32> to vector<16xf32>
        %add3A_104 = arith.addf %add3A_96, %get3A_103 : vector<16xf32>
        %mul3A_105 = arith.constant 16 : i32
        %mul3A_106 = arith.muli %scan3A_66, %mul3A_105 : i32
        %get3A_107 = arith.constant 24 : i32
        %get3A_108 = arith.index_cast %get3A_107 : i32 to index
        %get3A_109 = arith.index_cast %mul3A_106 : i32 to index
        %get3A_110 = tpu.vector_load %arg7[%get3A_108, %get3A_109] {strides = array<i32>} : memref<80x768xf32, #tpu.memory_space<vmem>>, vector<1x16xf32>,
        %get3A_111 = vector.shape_cast %get3A_110 : vector<1x16xf32> to vector<16xf32>
        %add3A_112 = arith.addf %add3A_104, %get3A_111 : vector<16xf32>
        %mul3A_113 = arith.constant 16 : i32
        %mul3A_114 = arith.muli %scan3A_66, %mul3A_113 : i32
        %get3A_115 = arith.constant 25 : i32
        %get3A_116 = arith.index_cast %get3A_115 : i32 to index
        %get3A_117 = arith.index_cast %mul3A_114 : i32 to index
        %get3A_118 = tpu.vector_load %arg7[%get3A_116, %get3A_117] {strides = array<i32>} : memref<80x768xf32, #tpu.memory_space<vmem>>, vector<1x16xf32>,
        %get3A_119 = vector.shape_cast %get3A_118 : vector<1x16xf32> to vector<16xf32>
        %add3A_120 = arith.addf %add3A_112, %get3A_119 : vector<16xf32>
        %mul3A_121 = arith.constant 16 : i32
        %mul3A_122 = arith.muli %scan3A_66, %mul3A_121 : i32
        %get3A_123 = arith.constant 26 : i32
        %get3A_124 = arith.index_cast %get3A_123 : i32 to index
        %get3A_125 = arith.index_cast %mul3A_122 : i32 to index
        %get3A_126 = tpu.vector_load %arg7[%get3A_124, %get3A_125] {strides = array<i32>} : memref<80x768xf32, #tpu.memory_space<vmem>>, vector<1x16xf32>,
        %get3A_127 = vector.shape_cast %get3A_126 : vector<1x16xf32> to vector<16xf32>
        %add3A_128 = arith.addf %add3A_120, %get3A_127 : vector<16xf32>
        %mul3A_129 = arith.constant 16 : i32
        %mul3A_130 = arith.muli %scan3A_66, %mul3A_129 : i32
        %get3A_131 = arith.constant 27 : i32
        %get3A_132 = arith.index_cast %get3A_131 : i32 to index
        %get3A_133 = arith.index_cast %mul3A_130 : i32 to index
        %get3A_134 = tpu.vector_load %arg7[%get3A_132, %get3A_133] {strides = array<i32>} : memref<80x768xf32, #tpu.memory_space<vmem>>, vector<1x16xf32>,
        %get3A_135 = vector.shape_cast %get3A_134 : vector<1x16xf32> to vector<16xf32>
        %add3A_136 = arith.addf %add3A_128, %get3A_135 : vector<16xf32>
        %mul3A_137 = arith.constant 16 : i32
        %mul3A_138 = arith.muli %scan3A_66, %mul3A_137 : i32
        %get3A_139 = arith.constant 28 : i32
        %get3A_140 = arith.index_cast %get3A_139 : i32 to index
        %get3A_141 = arith.index_cast %mul3A_138 : i32 to index
        %get3A_142 = tpu.vector_load %arg7[%get3A_140, %get3A_141] {strides = array<i32>} : memref<80x768xf32, #tpu.memory_space<vmem>>, vector<1x16xf32>,
        %get3A_143 = vector.shape_cast %get3A_142 : vector<1x16xf32> to vector<16xf32>
        %add3A_144 = arith.addf %add3A_136, %get3A_143 : vector<16xf32>
        %mul3A_145 = arith.constant 16 : i32
        %mul3A_146 = arith.muli %scan3A_66, %mul3A_145 : i32
        %get3A_147 = arith.constant 29 : i32
        %get3A_148 = arith.index_cast %get3A_147 : i32 to index
        %get3A_149 = arith.index_cast %mul3A_146 : i32 to index
        %get3A_150 = tpu.vector_load %arg7[%get3A_148, %get3A_149] {strides = array<i32>} : memref<80x768xf32, #tpu.memory_space<vmem>>, vector<1x16xf32>,
        %get3A_151 = vector.shape_cast %get3A_150 : vector<1x16xf32> to vector<16xf32>
        %add3A_152 = arith.addf %add3A_144, %get3A_151 : vector<16xf32>
        %mul3A_153 = arith.constant 16 : i32
        %mul3A_154 = arith.muli %scan3A_66, %mul3A_153 : i32
        %swap3A = arith.constant 2 : i32
        %swap3A_155 = arith.index_cast %swap3A : i32 to index
        %swap3A_156 = arith.index_cast %mul3A_154 : i32 to index
        %swap3A_157 = tpu.vector_load %arg8[%swap3A_155, %swap3A_156] {strides = array<i32>} : memref<8x768xf32, #tpu.memory_space<vmem>>, vector<1x16xf32>,
        %swap3A_158 = vector.shape_cast %swap3A_157 : vector<1x16xf32> to vector<16xf32>
        %swap3A_159 = vector.shape_cast %add3A_152 : vector<16xf32> to vector<1x16xf32>
        tpu.vector_store %arg8[%swap3A_155, %swap3A_156], %swap3A_159 {strides = array<i32>} : memref<8x768xf32, #tpu.memory_space<vmem>>, vector<1x16xf32>,
      }
      %scan3A_35 = arith.constant 48 : i32
      %scan3A_36 = arith.constant 0 : i32
      %scan3A_37 = arith.constant 0 : i32
      %scan3A_38 = arith.constant 48 : i32
      %scan3A_39 = arith.addi %scan3A_37, %scan3A_38 : i32
      %scan3A_40 = arith.constant 1 : i32
      scf.for %scan3A_66 = %scan3A_37 to %scan3A_39 step %scan3A_40  : i32 {
        %mul3A_67 = arith.constant 16 : i32
        %mul3A_68 = arith.muli %scan3A_66, %mul3A_67 : i32
        %get3A = arith.constant 3 : i32
        %get3A_69 = arith.index_cast %get3A : i32 to index
        %get3A_70 = arith.index_cast %mul3A_68 : i32 to index
        %get3A_71 = tpu.vector_load %arg8[%get3A_69, %get3A_70] {strides = array<i32>} : memref<8x768xf32, #tpu.memory_space<vmem>>, vector<1x16xf32>,
        %get3A_72 = vector.shape_cast %get3A_71 : vector<1x16xf32> to vector<16xf32>
        %mul3A_73 = arith.constant 16 : i32
        %mul3A_74 = arith.muli %scan3A_66, %mul3A_73 : i32
        %get3A_75 = arith.constant 30 : i32
        %get3A_76 = arith.index_cast %get3A_75 : i32 to index
        %get3A_77 = arith.index_cast %mul3A_74 : i32 to index
        %get3A_78 = tpu.vector_load %arg7[%get3A_76, %get3A_77] {strides = array<i32>} : memref<80x768xf32, #tpu.memory_space<vmem>>, vector<1x16xf32>,
        %get3A_79 = vector.shape_cast %get3A_78 : vector<1x16xf32> to vector<16xf32>
        %add3A_80 = arith.addf %get3A_72, %get3A_79 : vector<16xf32>
        %mul3A_81 = arith.constant 16 : i32
        %mul3A_82 = arith.muli %scan3A_66, %mul3A_81 : i32
        %get3A_83 = arith.constant 31 : i32
        %get3A_84 = arith.index_cast %get3A_83 : i32 to index
        %get3A_85 = arith.index_cast %mul3A_82 : i32 to index
        %get3A_86 = tpu.vector_load %arg7[%get3A_84, %get3A_85] {strides = array<i32>} : memref<80x768xf32, #tpu.memory_space<vmem>>, vector<1x16xf32>,
        %get3A_87 = vector.shape_cast %get3A_86 : vector<1x16xf32> to vector<16xf32>
        %add3A_88 = arith.addf %add3A_80, %get3A_87 : vector<16xf32>
        %mul3A_89 = arith.constant 16 : i32
        %mul3A_90 = arith.muli %scan3A_66, %mul3A_89 : i32
        %get3A_91 = arith.constant 32 : i32
        %get3A_92 = arith.index_cast %get3A_91 : i32 to index
        %get3A_93 = arith.index_cast %mul3A_90 : i32 to index
        %get3A_94 = tpu.vector_load %arg7[%get3A_92, %get3A_93] {strides = array<i32>} : memref<80x768xf32, #tpu.memory_space<vmem>>, vector<1x16xf32>,
        %get3A_95 = vector.shape_cast %get3A_94 : vector<1x16xf32> to vector<16xf32>
        %add3A_96 = arith.addf %add3A_88, %get3A_95 : vector<16xf32>
        %mul3A_97 = arith.constant 16 : i32
        %mul3A_98 = arith.muli %scan3A_66, %mul3A_97 : i32
        %get3A_99 = arith.constant 33 : i32
        %get3A_100 = arith.index_cast %get3A_99 : i32 to index
        %get3A_101 = arith.index_cast %mul3A_98 : i32 to index
        %get3A_102 = tpu.vector_load %arg7[%get3A_100, %get3A_101] {strides = array<i32>} : memref<80x768xf32, #tpu.memory_space<vmem>>, vector<1x16xf32>,
        %get3A_103 = vector.shape_cast %get3A_102 : vector<1x16xf32> to vector<16xf32>
        %add3A_104 = arith.addf %add3A_96, %get3A_103 : vector<16xf32>
        %mul3A_105 = arith.constant 16 : i32
        %mul3A_106 = arith.muli %scan3A_66, %mul3A_105 : i32
        %get3A_107 = arith.constant 34 : i32
        %get3A_108 = arith.index_cast %get3A_107 : i32 to index
        %get3A_109 = arith.index_cast %mul3A_106 : i32 to index
        %get3A_110 = tpu.vector_load %arg7[%get3A_108, %get3A_109] {strides = array<i32>} : memref<80x768xf32, #tpu.memory_space<vmem>>, vector<1x16xf32>,
        %get3A_111 = vector.shape_cast %get3A_110 : vector<1x16xf32> to vector<16xf32>
        %add3A_112 = arith.addf %add3A_104, %get3A_111 : vector<16xf32>
        %mul3A_113 = arith.constant 16 : i32
        %mul3A_114 = arith.muli %scan3A_66, %mul3A_113 : i32
        %get3A_115 = arith.constant 35 : i32
        %get3A_116 = arith.index_cast %get3A_115 : i32 to index
        %get3A_117 = arith.index_cast %mul3A_114 : i32 to index
        %get3A_118 = tpu.vector_load %arg7[%get3A_116, %get3A_117] {strides = array<i32>} : memref<80x768xf32, #tpu.memory_space<vmem>>, vector<1x16xf32>,
        %get3A_119 = vector.shape_cast %get3A_118 : vector<1x16xf32> to vector<16xf32>
        %add3A_120 = arith.addf %add3A_112, %get3A_119 : vector<16xf32>
        %mul3A_121 = arith.constant 16 : i32
        %mul3A_122 = arith.muli %scan3A_66, %mul3A_121 : i32
        %get3A_123 = arith.constant 36 : i32
        %get3A_124 = arith.index_cast %get3A_123 : i32 to index
        %get3A_125 = arith.index_cast %mul3A_122 : i32 to index
        %get3A_126 = tpu.vector_load %arg7[%get3A_124, %get3A_125] {strides = array<i32>} : memref<80x768xf32, #tpu.memory_space<vmem>>, vector<1x16xf32>,
        %get3A_127 = vector.shape_cast %get3A_126 : vector<1x16xf32> to vector<16xf32>
        %add3A_128 = arith.addf %add3A_120, %get3A_127 : vector<16xf32>
        %mul3A_129 = arith.constant 16 : i32
        %mul3A_130 = arith.muli %scan3A_66, %mul3A_129 : i32
        %get3A_131 = arith.constant 37 : i32
        %get3A_132 = arith.index_cast %get3A_131 : i32 to index
        %get3A_133 = arith.index_cast %mul3A_130 : i32 to index
        %get3A_134 = tpu.vector_load %arg7[%get3A_132, %get3A_133] {strides = array<i32>} : memref<80x768xf32, #tpu.memory_space<vmem>>, vector<1x16xf32>,
        %get3A_135 = vector.shape_cast %get3A_134 : vector<1x16xf32> to vector<16xf32>
        %add3A_136 = arith.addf %add3A_128, %get3A_135 : vector<16xf32>
        %mul3A_137 = arith.constant 16 : i32
        %mul3A_138 = arith.muli %scan3A_66, %mul3A_137 : i32
        %get3A_139 = arith.constant 38 : i32
        %get3A_140 = arith.index_cast %get3A_139 : i32 to index
        %get3A_141 = arith.index_cast %mul3A_138 : i32 to index
        %get3A_142 = tpu.vector_load %arg7[%get3A_140, %get3A_141] {strides = array<i32>} : memref<80x768xf32, #tpu.memory_space<vmem>>, vector<1x16xf32>,
        %get3A_143 = vector.shape_cast %get3A_142 : vector<1x16xf32> to vector<16xf32>
        %add3A_144 = arith.addf %add3A_136, %get3A_143 : vector<16xf32>
        %mul3A_145 = arith.constant 16 : i32
        %mul3A_146 = arith.muli %scan3A_66, %mul3A_145 : i32
        %get3A_147 = arith.constant 39 : i32
        %get3A_148 = arith.index_cast %get3A_147 : i32 to index
        %get3A_149 = arith.index_cast %mul3A_146 : i32 to index
        %get3A_150 = tpu.vector_load %arg7[%get3A_148, %get3A_149] {strides = array<i32>} : memref<80x768xf32, #tpu.memory_space<vmem>>, vector<1x16xf32>,
        %get3A_151 = vector.shape_cast %get3A_150 : vector<1x16xf32> to vector<16xf32>
        %add3A_152 = arith.addf %add3A_144, %get3A_151 : vector<16xf32>
        %mul3A_153 = arith.constant 16 : i32
        %mul3A_154 = arith.muli %scan3A_66, %mul3A_153 : i32
        %swap3A = arith.constant 3 : i32
        %swap3A_155 = arith.index_cast %swap3A : i32 to index
        %swap3A_156 = arith.index_cast %mul3A_154 : i32 to index
        %swap3A_157 = tpu.vector_load %arg8[%swap3A_155, %swap3A_156] {strides = array<i32>} : memref<8x768xf32, #tpu.memory_space<vmem>>, vector<1x16xf32>,
        %swap3A_158 = vector.shape_cast %swap3A_157 : vector<1x16xf32> to vector<16xf32>
        %swap3A_159 = vector.shape_cast %add3A_152 : vector<16xf32> to vector<1x16xf32>
        tpu.vector_store %arg8[%swap3A_155, %swap3A_156], %swap3A_159 {strides = array<i32>} : memref<8x768xf32, #tpu.memory_space<vmem>>, vector<1x16xf32>,
      }
      %scan3A_41 = arith.constant 48 : i32
      %scan3A_42 = arith.constant 0 : i32
      %scan3A_43 = arith.constant 0 : i32
      %scan3A_44 = arith.constant 48 : i32
      %scan3A_45 = arith.addi %scan3A_43, %scan3A_44 : i32
      %scan3A_46 = arith.constant 1 : i32
      scf.for %scan3A_66 = %scan3A_43 to %scan3A_45 step %scan3A_46  : i32 {
        %mul3A_67 = arith.constant 16 : i32
        %mul3A_68 = arith.muli %scan3A_66, %mul3A_67 : i32
        %get3A = arith.constant 4 : i32
        %get3A_69 = arith.index_cast %get3A : i32 to index
        %get3A_70 = arith.index_cast %mul3A_68 : i32 to index
        %get3A_71 = tpu.vector_load %arg8[%get3A_69, %get3A_70] {strides = array<i32>} : memref<8x768xf32, #tpu.memory_space<vmem>>, vector<1x16xf32>,
        %get3A_72 = vector.shape_cast %get3A_71 : vector<1x16xf32> to vector<16xf32>
        %mul3A_73 = arith.constant 16 : i32
        %mul3A_74 = arith.muli %scan3A_66, %mul3A_73 : i32
        %get3A_75 = arith.constant 40 : i32
        %get3A_76 = arith.index_cast %get3A_75 : i32 to index
        %get3A_77 = arith.index_cast %mul3A_74 : i32 to index
        %get3A_78 = tpu.vector_load %arg7[%get3A_76, %get3A_77] {strides = array<i32>} : memref<80x768xf32, #tpu.memory_space<vmem>>, vector<1x16xf32>,
        %get3A_79 = vector.shape_cast %get3A_78 : vector<1x16xf32> to vector<16xf32>
        %add3A_80 = arith.addf %get3A_72, %get3A_79 : vector<16xf32>
        %mul3A_81 = arith.constant 16 : i32
        %mul3A_82 = arith.muli %scan3A_66, %mul3A_81 : i32
        %get3A_83 = arith.constant 41 : i32
        %get3A_84 = arith.index_cast %get3A_83 : i32 to index
        %get3A_85 = arith.index_cast %mul3A_82 : i32 to index
        %get3A_86 = tpu.vector_load %arg7[%get3A_84, %get3A_85] {strides = array<i32>} : memref<80x768xf32, #tpu.memory_space<vmem>>, vector<1x16xf32>,
        %get3A_87 = vector.shape_cast %get3A_86 : vector<1x16xf32> to vector<16xf32>
        %add3A_88 = arith.addf %add3A_80, %get3A_87 : vector<16xf32>
        %mul3A_89 = arith.constant 16 : i32
        %mul3A_90 = arith.muli %scan3A_66, %mul3A_89 : i32
        %get3A_91 = arith.constant 42 : i32
        %get3A_92 = arith.index_cast %get3A_91 : i32 to index
        %get3A_93 = arith.index_cast %mul3A_90 : i32 to index
        %get3A_94 = tpu.vector_load %arg7[%get3A_92, %get3A_93] {strides = array<i32>} : memref<80x768xf32, #tpu.memory_space<vmem>>, vector<1x16xf32>,
        %get3A_95 = vector.shape_cast %get3A_94 : vector<1x16xf32> to vector<16xf32>
        %add3A_96 = arith.addf %add3A_88, %get3A_95 : vector<16xf32>
        %mul3A_97 = arith.constant 16 : i32
        %mul3A_98 = arith.muli %scan3A_66, %mul3A_97 : i32
        %get3A_99 = arith.constant 43 : i32
        %get3A_100 = arith.index_cast %get3A_99 : i32 to index
        %get3A_101 = arith.index_cast %mul3A_98 : i32 to index
        %get3A_102 = tpu.vector_load %arg7[%get3A_100, %get3A_101] {strides = array<i32>} : memref<80x768xf32, #tpu.memory_space<vmem>>, vector<1x16xf32>,
        %get3A_103 = vector.shape_cast %get3A_102 : vector<1x16xf32> to vector<16xf32>
        %add3A_104 = arith.addf %add3A_96, %get3A_103 : vector<16xf32>
        %mul3A_105 = arith.constant 16 : i32
        %mul3A_106 = arith.muli %scan3A_66, %mul3A_105 : i32
        %get3A_107 = arith.constant 44 : i32
        %get3A_108 = arith.index_cast %get3A_107 : i32 to index
        %get3A_109 = arith.index_cast %mul3A_106 : i32 to index
        %get3A_110 = tpu.vector_load %arg7[%get3A_108, %get3A_109] {strides = array<i32>} : memref<80x768xf32, #tpu.memory_space<vmem>>, vector<1x16xf32>,
        %get3A_111 = vector.shape_cast %get3A_110 : vector<1x16xf32> to vector<16xf32>
        %add3A_112 = arith.addf %add3A_104, %get3A_111 : vector<16xf32>
        %mul3A_113 = arith.constant 16 : i32
        %mul3A_114 = arith.muli %scan3A_66, %mul3A_113 : i32
        %get3A_115 = arith.constant 45 : i32
        %get3A_116 = arith.index_cast %get3A_115 : i32 to index
        %get3A_117 = arith.index_cast %mul3A_114 : i32 to index
        %get3A_118 = tpu.vector_load %arg7[%get3A_116, %get3A_117] {strides = array<i32>} : memref<80x768xf32, #tpu.memory_space<vmem>>, vector<1x16xf32>,
        %get3A_119 = vector.shape_cast %get3A_118 : vector<1x16xf32> to vector<16xf32>
        %add3A_120 = arith.addf %add3A_112, %get3A_119 : vector<16xf32>
        %mul3A_121 = arith.constant 16 : i32
        %mul3A_122 = arith.muli %scan3A_66, %mul3A_121 : i32
        %get3A_123 = arith.constant 46 : i32
        %get3A_124 = arith.index_cast %get3A_123 : i32 to index
        %get3A_125 = arith.index_cast %mul3A_122 : i32 to index
        %get3A_126 = tpu.vector_load %arg7[%get3A_124, %get3A_125] {strides = array<i32>} : memref<80x768xf32, #tpu.memory_space<vmem>>, vector<1x16xf32>,
        %get3A_127 = vector.shape_cast %get3A_126 : vector<1x16xf32> to vector<16xf32>
        %add3A_128 = arith.addf %add3A_120, %get3A_127 : vector<16xf32>
        %mul3A_129 = arith.constant 16 : i32
        %mul3A_130 = arith.muli %scan3A_66, %mul3A_129 : i32
        %get3A_131 = arith.constant 47 : i32
        %get3A_132 = arith.index_cast %get3A_131 : i32 to index
        %get3A_133 = arith.index_cast %mul3A_130 : i32 to index
        %get3A_134 = tpu.vector_load %arg7[%get3A_132, %get3A_133] {strides = array<i32>} : memref<80x768xf32, #tpu.memory_space<vmem>>, vector<1x16xf32>,
        %get3A_135 = vector.shape_cast %get3A_134 : vector<1x16xf32> to vector<16xf32>
        %add3A_136 = arith.addf %add3A_128, %get3A_135 : vector<16xf32>
        %mul3A_137 = arith.constant 16 : i32
        %mul3A_138 = arith.muli %scan3A_66, %mul3A_137 : i32
        %get3A_139 = arith.constant 48 : i32
        %get3A_140 = arith.index_cast %get3A_139 : i32 to index
        %get3A_141 = arith.index_cast %mul3A_138 : i32 to index
        %get3A_142 = tpu.vector_load %arg7[%get3A_140, %get3A_141] {strides = array<i32>} : memref<80x768xf32, #tpu.memory_space<vmem>>, vector<1x16xf32>,
        %get3A_143 = vector.shape_cast %get3A_142 : vector<1x16xf32> to vector<16xf32>
        %add3A_144 = arith.addf %add3A_136, %get3A_143 : vector<16xf32>
        %mul3A_145 = arith.constant 16 : i32
        %mul3A_146 = arith.muli %scan3A_66, %mul3A_145 : i32
        %get3A_147 = arith.constant 49 : i32
        %get3A_148 = arith.index_cast %get3A_147 : i32 to index
        %get3A_149 = arith.index_cast %mul3A_146 : i32 to index
        %get3A_150 = tpu.vector_load %arg7[%get3A_148, %get3A_149] {strides = array<i32>} : memref<80x768xf32, #tpu.memory_space<vmem>>, vector<1x16xf32>,
        %get3A_151 = vector.shape_cast %get3A_150 : vector<1x16xf32> to vector<16xf32>
        %add3A_152 = arith.addf %add3A_144, %get3A_151 : vector<16xf32>
        %mul3A_153 = arith.constant 16 : i32
        %mul3A_154 = arith.muli %scan3A_66, %mul3A_153 : i32
        %swap3A = arith.constant 4 : i32
        %swap3A_155 = arith.index_cast %swap3A : i32 to index
        %swap3A_156 = arith.index_cast %mul3A_154 : i32 to index
        %swap3A_157 = tpu.vector_load %arg8[%swap3A_155, %swap3A_156] {strides = array<i32>} : memref<8x768xf32, #tpu.memory_space<vmem>>, vector<1x16xf32>,
        %swap3A_158 = vector.shape_cast %swap3A_157 : vector<1x16xf32> to vector<16xf32>
        %swap3A_159 = vector.shape_cast %add3A_152 : vector<16xf32> to vector<1x16xf32>
        tpu.vector_store %arg8[%swap3A_155, %swap3A_156], %swap3A_159 {strides = array<i32>} : memref<8x768xf32, #tpu.memory_space<vmem>>, vector<1x16xf32>,
      }
      %scan3A_47 = arith.constant 48 : i32
      %scan3A_48 = arith.constant 0 : i32
      %scan3A_49 = arith.constant 0 : i32
      %scan3A_50 = arith.constant 48 : i32
      %scan3A_51 = arith.addi %scan3A_49, %scan3A_50 : i32
      %scan3A_52 = arith.constant 1 : i32
      scf.for %scan3A_66 = %scan3A_49 to %scan3A_51 step %scan3A_52  : i32 {
        %mul3A_67 = arith.constant 16 : i32
        %mul3A_68 = arith.muli %scan3A_66, %mul3A_67 : i32
        %get3A = arith.constant 5 : i32
        %get3A_69 = arith.index_cast %get3A : i32 to index
        %get3A_70 = arith.index_cast %mul3A_68 : i32 to index
        %get3A_71 = tpu.vector_load %arg8[%get3A_69, %get3A_70] {strides = array<i32>} : memref<8x768xf32, #tpu.memory_space<vmem>>, vector<1x16xf32>,
        %get3A_72 = vector.shape_cast %get3A_71 : vector<1x16xf32> to vector<16xf32>
        %mul3A_73 = arith.constant 16 : i32
        %mul3A_74 = arith.muli %scan3A_66, %mul3A_73 : i32
        %get3A_75 = arith.constant 50 : i32
        %get3A_76 = arith.index_cast %get3A_75 : i32 to index
        %get3A_77 = arith.index_cast %mul3A_74 : i32 to index
        %get3A_78 = tpu.vector_load %arg7[%get3A_76, %get3A_77] {strides = array<i32>} : memref<80x768xf32, #tpu.memory_space<vmem>>, vector<1x16xf32>,
        %get3A_79 = vector.shape_cast %get3A_78 : vector<1x16xf32> to vector<16xf32>
        %add3A_80 = arith.addf %get3A_72, %get3A_79 : vector<16xf32>
        %mul3A_81 = arith.constant 16 : i32
        %mul3A_82 = arith.muli %scan3A_66, %mul3A_81 : i32
        %get3A_83 = arith.constant 51 : i32
        %get3A_84 = arith.index_cast %get3A_83 : i32 to index
        %get3A_85 = arith.index_cast %mul3A_82 : i32 to index
        %get3A_86 = tpu.vector_load %arg7[%get3A_84, %get3A_85] {strides = array<i32>} : memref<80x768xf32, #tpu.memory_space<vmem>>, vector<1x16xf32>,
        %get3A_87 = vector.shape_cast %get3A_86 : vector<1x16xf32> to vector<16xf32>
        %add3A_88 = arith.addf %add3A_80, %get3A_87 : vector<16xf32>
        %mul3A_89 = arith.constant 16 : i32
        %mul3A_90 = arith.muli %scan3A_66, %mul3A_89 : i32
        %get3A_91 = arith.constant 52 : i32
        %get3A_92 = arith.index_cast %get3A_91 : i32 to index
        %get3A_93 = arith.index_cast %mul3A_90 : i32 to index
        %get3A_94 = tpu.vector_load %arg7[%get3A_92, %get3A_93] {strides = array<i32>} : memref<80x768xf32, #tpu.memory_space<vmem>>, vector<1x16xf32>,
        %get3A_95 = vector.shape_cast %get3A_94 : vector<1x16xf32> to vector<16xf32>
        %add3A_96 = arith.addf %add3A_88, %get3A_95 : vector<16xf32>
        %mul3A_97 = arith.constant 16 : i32
        %mul3A_98 = arith.muli %scan3A_66, %mul3A_97 : i32
        %get3A_99 = arith.constant 53 : i32
        %get3A_100 = arith.index_cast %get3A_99 : i32 to index
        %get3A_101 = arith.index_cast %mul3A_98 : i32 to index
        %get3A_102 = tpu.vector_load %arg7[%get3A_100, %get3A_101] {strides = array<i32>} : memref<80x768xf32, #tpu.memory_space<vmem>>, vector<1x16xf32>,
        %get3A_103 = vector.shape_cast %get3A_102 : vector<1x16xf32> to vector<16xf32>
        %add3A_104 = arith.addf %add3A_96, %get3A_103 : vector<16xf32>
        %mul3A_105 = arith.constant 16 : i32
        %mul3A_106 = arith.muli %scan3A_66, %mul3A_105 : i32
        %get3A_107 = arith.constant 54 : i32
        %get3A_108 = arith.index_cast %get3A_107 : i32 to index
        %get3A_109 = arith.index_cast %mul3A_106 : i32 to index
        %get3A_110 = tpu.vector_load %arg7[%get3A_108, %get3A_109] {strides = array<i32>} : memref<80x768xf32, #tpu.memory_space<vmem>>, vector<1x16xf32>,
        %get3A_111 = vector.shape_cast %get3A_110 : vector<1x16xf32> to vector<16xf32>
        %add3A_112 = arith.addf %add3A_104, %get3A_111 : vector<16xf32>
        %mul3A_113 = arith.constant 16 : i32
        %mul3A_114 = arith.muli %scan3A_66, %mul3A_113 : i32
        %get3A_115 = arith.constant 55 : i32
        %get3A_116 = arith.index_cast %get3A_115 : i32 to index
        %get3A_117 = arith.index_cast %mul3A_114 : i32 to index
        %get3A_118 = tpu.vector_load %arg7[%get3A_116, %get3A_117] {strides = array<i32>} : memref<80x768xf32, #tpu.memory_space<vmem>>, vector<1x16xf32>,
        %get3A_119 = vector.shape_cast %get3A_118 : vector<1x16xf32> to vector<16xf32>
        %add3A_120 = arith.addf %add3A_112, %get3A_119 : vector<16xf32>
        %mul3A_121 = arith.constant 16 : i32
        %mul3A_122 = arith.muli %scan3A_66, %mul3A_121 : i32
        %get3A_123 = arith.constant 56 : i32
        %get3A_124 = arith.index_cast %get3A_123 : i32 to index
        %get3A_125 = arith.index_cast %mul3A_122 : i32 to index
        %get3A_126 = tpu.vector_load %arg7[%get3A_124, %get3A_125] {strides = array<i32>} : memref<80x768xf32, #tpu.memory_space<vmem>>, vector<1x16xf32>,
        %get3A_127 = vector.shape_cast %get3A_126 : vector<1x16xf32> to vector<16xf32>
        %add3A_128 = arith.addf %add3A_120, %get3A_127 : vector<16xf32>
        %mul3A_129 = arith.constant 16 : i32
        %mul3A_130 = arith.muli %scan3A_66, %mul3A_129 : i32
        %get3A_131 = arith.constant 57 : i32
        %get3A_132 = arith.index_cast %get3A_131 : i32 to index
        %get3A_133 = arith.index_cast %mul3A_130 : i32 to index
        %get3A_134 = tpu.vector_load %arg7[%get3A_132, %get3A_133] {strides = array<i32>} : memref<80x768xf32, #tpu.memory_space<vmem>>, vector<1x16xf32>,
        %get3A_135 = vector.shape_cast %get3A_134 : vector<1x16xf32> to vector<16xf32>
        %add3A_136 = arith.addf %add3A_128, %get3A_135 : vector<16xf32>
        %mul3A_137 = arith.constant 16 : i32
        %mul3A_138 = arith.muli %scan3A_66, %mul3A_137 : i32
        %get3A_139 = arith.constant 58 : i32
        %get3A_140 = arith.index_cast %get3A_139 : i32 to index
        %get3A_141 = arith.index_cast %mul3A_138 : i32 to index
        %get3A_142 = tpu.vector_load %arg7[%get3A_140, %get3A_141] {strides = array<i32>} : memref<80x768xf32, #tpu.memory_space<vmem>>, vector<1x16xf32>,
        %get3A_143 = vector.shape_cast %get3A_142 : vector<1x16xf32> to vector<16xf32>
        %add3A_144 = arith.addf %add3A_136, %get3A_143 : vector<16xf32>
        %mul3A_145 = arith.constant 16 : i32
        %mul3A_146 = arith.muli %scan3A_66, %mul3A_145 : i32
        %get3A_147 = arith.constant 59 : i32
        %get3A_148 = arith.index_cast %get3A_147 : i32 to index
        %get3A_149 = arith.index_cast %mul3A_146 : i32 to index
        %get3A_150 = tpu.vector_load %arg7[%get3A_148, %get3A_149] {strides = array<i32>} : memref<80x768xf32, #tpu.memory_space<vmem>>, vector<1x16xf32>,
        %get3A_151 = vector.shape_cast %get3A_150 : vector<1x16xf32> to vector<16xf32>
        %add3A_152 = arith.addf %add3A_144, %get3A_151 : vector<16xf32>
        %mul3A_153 = arith.constant 16 : i32
        %mul3A_154 = arith.muli %scan3A_66, %mul3A_153 : i32
        %swap3A = arith.constant 5 : i32
        %swap3A_155 = arith.index_cast %swap3A : i32 to index
        %swap3A_156 = arith.index_cast %mul3A_154 : i32 to index
        %swap3A_157 = tpu.vector_load %arg8[%swap3A_155, %swap3A_156] {strides = array<i32>} : memref<8x768xf32, #tpu.memory_space<vmem>>, vector<1x16xf32>,
        %swap3A_158 = vector.shape_cast %swap3A_157 : vector<1x16xf32> to vector<16xf32>
        %swap3A_159 = vector.shape_cast %add3A_152 : vector<16xf32> to vector<1x16xf32>
        tpu.vector_store %arg8[%swap3A_155, %swap3A_156], %swap3A_159 {strides = array<i32>} : memref<8x768xf32, #tpu.memory_space<vmem>>, vector<1x16xf32>,
      }
      %scan3A_53 = arith.constant 48 : i32
      %scan3A_54 = arith.constant 0 : i32
      %scan3A_55 = arith.constant 0 : i32
      %scan3A_56 = arith.constant 48 : i32
      %scan3A_57 = arith.addi %scan3A_55, %scan3A_56 : i32
      %scan3A_58 = arith.constant 1 : i32
      scf.for %scan3A_66 = %scan3A_55 to %scan3A_57 step %scan3A_58  : i32 {
        %mul3A_67 = arith.constant 16 : i32
        %mul3A_68 = arith.muli %scan3A_66, %mul3A_67 : i32
        %get3A = arith.constant 6 : i32
        %get3A_69 = arith.index_cast %get3A : i32 to index
        %get3A_70 = arith.index_cast %mul3A_68 : i32 to index
        %get3A_71 = tpu.vector_load %arg8[%get3A_69, %get3A_70] {strides = array<i32>} : memref<8x768xf32, #tpu.memory_space<vmem>>, vector<1x16xf32>,
        %get3A_72 = vector.shape_cast %get3A_71 : vector<1x16xf32> to vector<16xf32>
        %mul3A_73 = arith.constant 16 : i32
        %mul3A_74 = arith.muli %scan3A_66, %mul3A_73 : i32
        %get3A_75 = arith.constant 60 : i32
        %get3A_76 = arith.index_cast %get3A_75 : i32 to index
        %get3A_77 = arith.index_cast %mul3A_74 : i32 to index
        %get3A_78 = tpu.vector_load %arg7[%get3A_76, %get3A_77] {strides = array<i32>} : memref<80x768xf32, #tpu.memory_space<vmem>>, vector<1x16xf32>,
        %get3A_79 = vector.shape_cast %get3A_78 : vector<1x16xf32> to vector<16xf32>
        %add3A_80 = arith.addf %get3A_72, %get3A_79 : vector<16xf32>
        %mul3A_81 = arith.constant 16 : i32
        %mul3A_82 = arith.muli %scan3A_66, %mul3A_81 : i32
        %get3A_83 = arith.constant 61 : i32
        %get3A_84 = arith.index_cast %get3A_83 : i32 to index
        %get3A_85 = arith.index_cast %mul3A_82 : i32 to index
        %get3A_86 = tpu.vector_load %arg7[%get3A_84, %get3A_85] {strides = array<i32>} : memref<80x768xf32, #tpu.memory_space<vmem>>, vector<1x16xf32>,
        %get3A_87 = vector.shape_cast %get3A_86 : vector<1x16xf32> to vector<16xf32>
        %add3A_88 = arith.addf %add3A_80, %get3A_87 : vector<16xf32>
        %mul3A_89 = arith.constant 16 : i32
        %mul3A_90 = arith.muli %scan3A_66, %mul3A_89 : i32
        %get3A_91 = arith.constant 62 : i32
        %get3A_92 = arith.index_cast %get3A_91 : i32 to index
        %get3A_93 = arith.index_cast %mul3A_90 : i32 to index
        %get3A_94 = tpu.vector_load %arg7[%get3A_92, %get3A_93] {strides = array<i32>} : memref<80x768xf32, #tpu.memory_space<vmem>>, vector<1x16xf32>,
        %get3A_95 = vector.shape_cast %get3A_94 : vector<1x16xf32> to vector<16xf32>
        %add3A_96 = arith.addf %add3A_88, %get3A_95 : vector<16xf32>
        %mul3A_97 = arith.constant 16 : i32
        %mul3A_98 = arith.muli %scan3A_66, %mul3A_97 : i32
        %get3A_99 = arith.constant 63 : i32
        %get3A_100 = arith.index_cast %get3A_99 : i32 to index
        %get3A_101 = arith.index_cast %mul3A_98 : i32 to index
        %get3A_102 = tpu.vector_load %arg7[%get3A_100, %get3A_101] {strides = array<i32>} : memref<80x768xf32, #tpu.memory_space<vmem>>, vector<1x16xf32>,
        %get3A_103 = vector.shape_cast %get3A_102 : vector<1x16xf32> to vector<16xf32>
        %add3A_104 = arith.addf %add3A_96, %get3A_103 : vector<16xf32>
        %mul3A_105 = arith.constant 16 : i32
        %mul3A_106 = arith.muli %scan3A_66, %mul3A_105 : i32
        %get3A_107 = arith.constant 64 : i32
        %get3A_108 = arith.index_cast %get3A_107 : i32 to index
        %get3A_109 = arith.index_cast %mul3A_106 : i32 to index
        %get3A_110 = tpu.vector_load %arg7[%get3A_108, %get3A_109] {strides = array<i32>} : memref<80x768xf32, #tpu.memory_space<vmem>>, vector<1x16xf32>,
        %get3A_111 = vector.shape_cast %get3A_110 : vector<1x16xf32> to vector<16xf32>
        %add3A_112 = arith.addf %add3A_104, %get3A_111 : vector<16xf32>
        %mul3A_113 = arith.constant 16 : i32
        %mul3A_114 = arith.muli %scan3A_66, %mul3A_113 : i32
        %get3A_115 = arith.constant 65 : i32
        %get3A_116 = arith.index_cast %get3A_115 : i32 to index
        %get3A_117 = arith.index_cast %mul3A_114 : i32 to index
        %get3A_118 = tpu.vector_load %arg7[%get3A_116, %get3A_117] {strides = array<i32>} : memref<80x768xf32, #tpu.memory_space<vmem>>, vector<1x16xf32>,
        %get3A_119 = vector.shape_cast %get3A_118 : vector<1x16xf32> to vector<16xf32>
        %add3A_120 = arith.addf %add3A_112, %get3A_119 : vector<16xf32>
        %mul3A_121 = arith.constant 16 : i32
        %mul3A_122 = arith.muli %scan3A_66, %mul3A_121 : i32
        %get3A_123 = arith.constant 66 : i32
        %get3A_124 = arith.index_cast %get3A_123 : i32 to index
        %get3A_125 = arith.index_cast %mul3A_122 : i32 to index
        %get3A_126 = tpu.vector_load %arg7[%get3A_124, %get3A_125] {strides = array<i32>} : memref<80x768xf32, #tpu.memory_space<vmem>>, vector<1x16xf32>,
        %get3A_127 = vector.shape_cast %get3A_126 : vector<1x16xf32> to vector<16xf32>
        %add3A_128 = arith.addf %add3A_120, %get3A_127 : vector<16xf32>
        %mul3A_129 = arith.constant 16 : i32
        %mul3A_130 = arith.muli %scan3A_66, %mul3A_129 : i32
        %get3A_131 = arith.constant 67 : i32
        %get3A_132 = arith.index_cast %get3A_131 : i32 to index
        %get3A_133 = arith.index_cast %mul3A_130 : i32 to index
        %get3A_134 = tpu.vector_load %arg7[%get3A_132, %get3A_133] {strides = array<i32>} : memref<80x768xf32, #tpu.memory_space<vmem>>, vector<1x16xf32>,
        %get3A_135 = vector.shape_cast %get3A_134 : vector<1x16xf32> to vector<16xf32>
        %add3A_136 = arith.addf %add3A_128, %get3A_135 : vector<16xf32>
        %mul3A_137 = arith.constant 16 : i32
        %mul3A_138 = arith.muli %scan3A_66, %mul3A_137 : i32
        %get3A_139 = arith.constant 68 : i32
        %get3A_140 = arith.index_cast %get3A_139 : i32 to index
        %get3A_141 = arith.index_cast %mul3A_138 : i32 to index
        %get3A_142 = tpu.vector_load %arg7[%get3A_140, %get3A_141] {strides = array<i32>} : memref<80x768xf32, #tpu.memory_space<vmem>>, vector<1x16xf32>,
        %get3A_143 = vector.shape_cast %get3A_142 : vector<1x16xf32> to vector<16xf32>
        %add3A_144 = arith.addf %add3A_136, %get3A_143 : vector<16xf32>
        %mul3A_145 = arith.constant 16 : i32
        %mul3A_146 = arith.muli %scan3A_66, %mul3A_145 : i32
        %get3A_147 = arith.constant 69 : i32
        %get3A_148 = arith.index_cast %get3A_147 : i32 to index
        %get3A_149 = arith.index_cast %mul3A_146 : i32 to index
        %get3A_150 = tpu.vector_load %arg7[%get3A_148, %get3A_149] {strides = array<i32>} : memref<80x768xf32, #tpu.memory_space<vmem>>, vector<1x16xf32>,
        %get3A_151 = vector.shape_cast %get3A_150 : vector<1x16xf32> to vector<16xf32>
        %add3A_152 = arith.addf %add3A_144, %get3A_151 : vector<16xf32>
        %mul3A_153 = arith.constant 16 : i32
        %mul3A_154 = arith.muli %scan3A_66, %mul3A_153 : i32
        %swap3A = arith.constant 6 : i32
        %swap3A_155 = arith.index_cast %swap3A : i32 to index
        %swap3A_156 = arith.index_cast %mul3A_154 : i32 to index
        %swap3A_157 = tpu.vector_load %arg8[%swap3A_155, %swap3A_156] {strides = array<i32>} : memref<8x768xf32, #tpu.memory_space<vmem>>, vector<1x16xf32>,
        %swap3A_158 = vector.shape_cast %swap3A_157 : vector<1x16xf32> to vector<16xf32>
        %swap3A_159 = vector.shape_cast %add3A_152 : vector<16xf32> to vector<1x16xf32>
        tpu.vector_store %arg8[%swap3A_155, %swap3A_156], %swap3A_159 {strides = array<i32>} : memref<8x768xf32, #tpu.memory_space<vmem>>, vector<1x16xf32>,
      }
      %scan3A_59 = arith.constant 48 : i32
      %scan3A_60 = arith.constant 0 : i32
      %scan3A_61 = arith.constant 0 : i32
      %scan3A_62 = arith.constant 48 : i32
      %scan3A_63 = arith.addi %scan3A_61, %scan3A_62 : i32
      %scan3A_64 = arith.constant 1 : i32
      scf.for %scan3A_66 = %scan3A_61 to %scan3A_63 step %scan3A_64  : i32 {
        %mul3A_67 = arith.constant 16 : i32
        %mul3A_68 = arith.muli %scan3A_66, %mul3A_67 : i32
        %get3A = arith.constant 7 : i32
        %get3A_69 = arith.index_cast %get3A : i32 to index
        %get3A_70 = arith.index_cast %mul3A_68 : i32 to index
        %get3A_71 = tpu.vector_load %arg8[%get3A_69, %get3A_70] {strides = array<i32>} : memref<8x768xf32, #tpu.memory_space<vmem>>, vector<1x16xf32>,
        %get3A_72 = vector.shape_cast %get3A_71 : vector<1x16xf32> to vector<16xf32>
        %mul3A_73 = arith.constant 16 : i32
        %mul3A_74 = arith.muli %scan3A_66, %mul3A_73 : i32
        %get3A_75 = arith.constant 70 : i32
        %get3A_76 = arith.index_cast %get3A_75 : i32 to index
        %get3A_77 = arith.index_cast %mul3A_74 : i32 to index
        %get3A_78 = tpu.vector_load %arg7[%get3A_76, %get3A_77] {strides = array<i32>} : memref<80x768xf32, #tpu.memory_space<vmem>>, vector<1x16xf32>,
        %get3A_79 = vector.shape_cast %get3A_78 : vector<1x16xf32> to vector<16xf32>
        %add3A_80 = arith.addf %get3A_72, %get3A_79 : vector<16xf32>
        %mul3A_81 = arith.constant 16 : i32
        %mul3A_82 = arith.muli %scan3A_66, %mul3A_81 : i32
        %get3A_83 = arith.constant 71 : i32
        %get3A_84 = arith.index_cast %get3A_83 : i32 to index
        %get3A_85 = arith.index_cast %mul3A_82 : i32 to index
        %get3A_86 = tpu.vector_load %arg7[%get3A_84, %get3A_85] {strides = array<i32>} : memref<80x768xf32, #tpu.memory_space<vmem>>, vector<1x16xf32>,
        %get3A_87 = vector.shape_cast %get3A_86 : vector<1x16xf32> to vector<16xf32>
        %add3A_88 = arith.addf %add3A_80, %get3A_87 : vector<16xf32>
        %mul3A_89 = arith.constant 16 : i32
        %mul3A_90 = arith.muli %scan3A_66, %mul3A_89 : i32
        %get3A_91 = arith.constant 72 : i32
        %get3A_92 = arith.index_cast %get3A_91 : i32 to index
        %get3A_93 = arith.index_cast %mul3A_90 : i32 to index
        %get3A_94 = tpu.vector_load %arg7[%get3A_92, %get3A_93] {strides = array<i32>} : memref<80x768xf32, #tpu.memory_space<vmem>>, vector<1x16xf32>,
        %get3A_95 = vector.shape_cast %get3A_94 : vector<1x16xf32> to vector<16xf32>
        %add3A_96 = arith.addf %add3A_88, %get3A_95 : vector<16xf32>
        %mul3A_97 = arith.constant 16 : i32
        %mul3A_98 = arith.muli %scan3A_66, %mul3A_97 : i32
        %get3A_99 = arith.constant 73 : i32
        %get3A_100 = arith.index_cast %get3A_99 : i32 to index
        %get3A_101 = arith.index_cast %mul3A_98 : i32 to index
        %get3A_102 = tpu.vector_load %arg7[%get3A_100, %get3A_101] {strides = array<i32>} : memref<80x768xf32, #tpu.memory_space<vmem>>, vector<1x16xf32>,
        %get3A_103 = vector.shape_cast %get3A_102 : vector<1x16xf32> to vector<16xf32>
        %add3A_104 = arith.addf %add3A_96, %get3A_103 : vector<16xf32>
        %mul3A_105 = arith.constant 16 : i32
        %mul3A_106 = arith.muli %scan3A_66, %mul3A_105 : i32
        %get3A_107 = arith.constant 74 : i32
        %get3A_108 = arith.index_cast %get3A_107 : i32 to index
        %get3A_109 = arith.index_cast %mul3A_106 : i32 to index
        %get3A_110 = tpu.vector_load %arg7[%get3A_108, %get3A_109] {strides = array<i32>} : memref<80x768xf32, #tpu.memory_space<vmem>>, vector<1x16xf32>,
        %get3A_111 = vector.shape_cast %get3A_110 : vector<1x16xf32> to vector<16xf32>
        %add3A_112 = arith.addf %add3A_104, %get3A_111 : vector<16xf32>
        %mul3A_113 = arith.constant 16 : i32
        %mul3A_114 = arith.muli %scan3A_66, %mul3A_113 : i32
        %get3A_115 = arith.constant 75 : i32
        %get3A_116 = arith.index_cast %get3A_115 : i32 to index
        %get3A_117 = arith.index_cast %mul3A_114 : i32 to index
        %get3A_118 = tpu.vector_load %arg7[%get3A_116, %get3A_117] {strides = array<i32>} : memref<80x768xf32, #tpu.memory_space<vmem>>, vector<1x16xf32>,
        %get3A_119 = vector.shape_cast %get3A_118 : vector<1x16xf32> to vector<16xf32>
        %add3A_120 = arith.addf %add3A_112, %get3A_119 : vector<16xf32>
        %mul3A_121 = arith.constant 16 : i32
        %mul3A_122 = arith.muli %scan3A_66, %mul3A_121 : i32
        %get3A_123 = arith.constant 76 : i32
        %get3A_124 = arith.index_cast %get3A_123 : i32 to index
        %get3A_125 = arith.index_cast %mul3A_122 : i32 to index
        %get3A_126 = tpu.vector_load %arg7[%get3A_124, %get3A_125] {strides = array<i32>} : memref<80x768xf32, #tpu.memory_space<vmem>>, vector<1x16xf32>,
        %get3A_127 = vector.shape_cast %get3A_126 : vector<1x16xf32> to vector<16xf32>
        %add3A_128 = arith.addf %add3A_120, %get3A_127 : vector<16xf32>
        %mul3A_129 = arith.constant 16 : i32
        %mul3A_130 = arith.muli %scan3A_66, %mul3A_129 : i32
        %get3A_131 = arith.constant 77 : i32
        %get3A_132 = arith.index_cast %get3A_131 : i32 to index
        %get3A_133 = arith.index_cast %mul3A_130 : i32 to index
        %get3A_134 = tpu.vector_load %arg7[%get3A_132, %get3A_133] {strides = array<i32>} : memref<80x768xf32, #tpu.memory_space<vmem>>, vector<1x16xf32>,
        %get3A_135 = vector.shape_cast %get3A_134 : vector<1x16xf32> to vector<16xf32>
        %add3A_136 = arith.addf %add3A_128, %get3A_135 : vector<16xf32>
        %mul3A_137 = arith.constant 16 : i32
        %mul3A_138 = arith.muli %scan3A_66, %mul3A_137 : i32
        %get3A_139 = arith.constant 78 : i32
        %get3A_140 = arith.index_cast %get3A_139 : i32 to index
        %get3A_141 = arith.index_cast %mul3A_138 : i32 to index
        %get3A_142 = tpu.vector_load %arg7[%get3A_140, %get3A_141] {strides = array<i32>} : memref<80x768xf32, #tpu.memory_space<vmem>>, vector<1x16xf32>,
        %get3A_143 = vector.shape_cast %get3A_142 : vector<1x16xf32> to vector<16xf32>
        %add3A_144 = arith.addf %add3A_136, %get3A_143 : vector<16xf32>
        %mul3A_145 = arith.constant 16 : i32
        %mul3A_146 = arith.muli %scan3A_66, %mul3A_145 : i32
        %get3A_147 = arith.constant 79 : i32
        %get3A_148 = arith.index_cast %get3A_147 : i32 to index
        %get3A_149 = arith.index_cast %mul3A_146 : i32 to index
        %get3A_150 = tpu.vector_load %arg7[%get3A_148, %get3A_149] {strides = array<i32>} : memref<80x768xf32, #tpu.memory_space<vmem>>, vector<1x16xf32>,
        %get3A_151 = vector.shape_cast %get3A_150 : vector<1x16xf32> to vector<16xf32>
        %add3A_152 = arith.addf %add3A_144, %get3A_151 : vector<16xf32>
        %mul3A_153 = arith.constant 16 : i32
        %mul3A_154 = arith.muli %scan3A_66, %mul3A_153 : i32
        %swap3A = arith.constant 7 : i32
        %swap3A_155 = arith.index_cast %swap3A : i32 to index
        %swap3A_156 = arith.index_cast %mul3A_154 : i32 to index
        %swap3A_157 = tpu.vector_load %arg8[%swap3A_155, %swap3A_156] {strides = array<i32>} : memref<8x768xf32, #tpu.memory_space<vmem>>, vector<1x16xf32>,
        %swap3A_158 = vector.shape_cast %swap3A_157 : vector<1x16xf32> to vector<16xf32>
        %swap3A_159 = vector.shape_cast %add3A_152 : vector<16xf32> to vector<1x16xf32>
        tpu.vector_store %arg8[%swap3A_155, %swap3A_156], %swap3A_159 {strides = array<i32>} : memref<8x768xf32, #tpu.memory_space<vmem>>, vector<1x16xf32>,
      }
      %scan3A_65 = arith.constant 48 : i32
      "tpu.region"() ({
        %run_scoped3A = tpu.sem_alloc : memref<!tpu.dma_semaphore, #tpu.memory_space<semaphore_mem>>
        %dma_start3A_66 = arith.constant 0 : i32
        %dma_start3A_67 = tpu.memref_slice %arg5[%add3A_11, %dma_start3A_66] : memref<16384x768xf32, #tpu.memory_space<hbm>> -> memref<8x768xf32, #tpu.memory_space<hbm>>
        %dma_start3A_68 = arith.constant 0 : i32
        %dma_start3A_69 = tpu.memref_slice %arg5[%add3A_11, %dma_start3A_68] : memref<16384x768xf32, #tpu.memory_space<hbm>> -> memref<8x768xf32, #tpu.memory_space<hbm>>
        tpu.enqueue_dma source(%arg8 : memref<8x768xf32, #tpu.memory_space<vmem>>) target(%dma_start3A_69 : memref<8x768xf32, #tpu.memory_space<hbm>>) target_semaphore(%run_scoped3A : memref<!tpu.dma_semaphore, #tpu.memory_space<semaphore_mem>>)
        %dma_wait3A_70 = arith.constant 0 : i32
        %dma_wait3A_71 = tpu.memref_slice %arg5[%add3A_11, %dma_wait3A_70] : memref<16384x768xf32, #tpu.memory_space<hbm>> -> memref<8x768xf32, #tpu.memory_space<hbm>>
        %dma_wait3A_72 = arith.constant 0 : i32
        %dma_wait3A_73 = tpu.memref_slice %arg5[%add3A_11, %dma_wait3A_72] : memref<16384x768xf32, #tpu.memory_space<hbm>> -> memref<8x768xf32, #tpu.memory_space<hbm>>
        tpu.wait_dma2 semaphore(%run_scoped3A : memref<!tpu.dma_semaphore, #tpu.memory_space<semaphore_mem>>) src(%arg8 : memref<8x768xf32, #tpu.memory_space<vmem>>) dst(%dma_wait3A_73 : memref<8x768xf32, #tpu.memory_space<hbm>>)
        tpu.yield
      }) : () -> ()
    }
    %scan3A_7 = arith.constant 64 : i32
    return
  }
}

module attributes {stable_mosaic.version = 14 : i64} {
  func.func @_tc_body(%arg0: i32, %arg1: memref<1024x768xf32, #tpu.memory_space<vmem>>, %arg2: memref<16x2xf32, #tpu.memory_space<vmem>>, %arg3: memref<16x2xf32, #tpu.memory_space<vmem>>, %arg4: memref<16x1xf32, #tpu.memory_space<vmem>>, %arg5: memref<256x2xf32, #tpu.memory_space<vmem>>, %arg6: memref<256x2xf32, #tpu.memory_space<vmem>>, %arg7: memref<256x1xf32, #tpu.memory_space<vmem>>, %arg8: memref<1x768xf32, #tpu.memory_space<vmem>>, %arg9: memref<2x768xf32, #tpu.memory_space<vmem>>, %arg10: memref<2x768xf32, #tpu.memory_space<vmem>>, %arg11: memref<2x768xf32, #tpu.memory_space<vmem>>, %arg12: memref<2x768xf32, #tpu.memory_space<vmem>>, %arg13: memref<16x82x768xf32, #tpu.memory_space<vmem>>) attributes {dimension_semantics = [#tpu.dimension_semantics<arbitrary>], iteration_bounds = array<i64: 16>, scalar_prefetch = 0 : i64, scratch_operands = 0 : i64, tpu.core_type = #tpu.core_type<tc>, window_params = [{transform_indices = @transform_0, window_bounds = array<i64: 1024, 768>}, {transform_indices = @transform_1, window_bounds = array<i64: 16, 2>}, {transform_indices = @transform_2, window_bounds = array<i64: 16, 2>}, {transform_indices = @transform_3, window_bounds = array<i64: 16, 1>}, {transform_indices = @transform_4, window_bounds = array<i64: 256, 2>}, {transform_indices = @transform_5, window_bounds = array<i64: 256, 2>}, {transform_indices = @transform_6, window_bounds = array<i64: 256, 1>}, {pipeline_mode = #tpu.pipeline_mode<synchronous>, transform_indices = @transform_7, window_bounds = array<i64: 1, 768>}, {pipeline_mode = #tpu.pipeline_mode<synchronous>, transform_indices = @transform_8, window_bounds = array<i64: 2, 768>}, {pipeline_mode = #tpu.pipeline_mode<synchronous>, transform_indices = @transform_9, window_bounds = array<i64: 2, 768>}, {pipeline_mode = #tpu.pipeline_mode<synchronous>, transform_indices = @transform_10, window_bounds = array<i64: 2, 768>}, {pipeline_mode = #tpu.pipeline_mode<synchronous>, transform_indices = @transform_11, window_bounds = array<i64: 2, 768>}, {transform_indices = @transform_12, window_bounds = array<i64: 16, 82, 768>}]} {
    %get3A = arith.constant 0 : index
    %get3A_0 = arith.constant 0 : index
    %get3A_1 = vector.load %arg1[%get3A, %get3A_0] : memref<1024x768xf32, #tpu.memory_space<vmem>>, vector<1024x768xf32>
    %get3A_2 = arith.constant 0 : index
    %get3A_3 = arith.constant 0 : index
    %get3A_4 = vector.load %arg8[%get3A_2, %get3A_3] : memref<1x768xf32, #tpu.memory_space<vmem>>, vector<1x768xf32>
    %broadcast_in_dim3A = vector.shape_cast %get3A_4 : vector<1x768xf32> to vector<1x768xf32>
    %broadcast_in_dim3A_5 = vector.broadcast %broadcast_in_dim3A : vector<1x768xf32> to vector<16x768xf32>
    %get3A_6 = arith.constant 0 : index
    %get3A_7 = arith.constant 0 : index
    %get3A_8 = vector.load %arg2[%get3A_6, %get3A_7] : memref<16x2xf32, #tpu.memory_space<vmem>>, vector<16x2xf32>
    %get3A_9 = arith.constant 0 : index
    %get3A_10 = arith.constant 0 : index
    %get3A_11 = vector.load %arg3[%get3A_9, %get3A_10] : memref<16x2xf32, #tpu.memory_space<vmem>>, vector<16x2xf32>
    %get3A_12 = arith.constant 0 : index
    %get3A_13 = arith.constant 0 : index
    %get3A_14 = vector.load %arg4[%get3A_12, %get3A_13] : memref<16x1xf32, #tpu.memory_space<vmem>>, vector<16x1xf32>
    %get3A_15 = arith.constant 0 : index
    %get3A_16 = arith.constant 0 : index
    %get3A_17 = vector.load %arg9[%get3A_15, %get3A_16] : memref<2x768xf32, #tpu.memory_space<vmem>>, vector<2x768xf32>
    %get3A_18 = arith.constant 0 : index
    %get3A_19 = arith.constant 0 : index
    %get3A_20 = vector.load %arg10[%get3A_18, %get3A_19] : memref<2x768xf32, #tpu.memory_space<vmem>>, vector<2x768xf32>
    %slice3A = vector.extract_strided_slice %get3A_11 {offsets = [0, 0], sizes = [16, 1], strides = [1, 1]} : vector<16x2xf32> to vector<16x1xf32>
    %slice3A_21 = vector.extract_strided_slice %get3A_8 {offsets = [0, 0], sizes = [16, 1], strides = [1, 1]} : vector<16x2xf32> to vector<16x1xf32>
    %slice3A_22 = vector.extract_strided_slice %get3A_17 {offsets = [0, 0], sizes = [1, 768], strides = [1, 1]} : vector<2x768xf32> to vector<1x768xf32>
    %mul3A = vector.broadcast %slice3A_21 : vector<16x1xf32> to vector<16x768xf32>
    %mul3A_23 = vector.broadcast %slice3A_22 : vector<1x768xf32> to vector<16x768xf32>
    %mul3A_24 = arith.mulf %mul3A, %mul3A_23 : vector<16x768xf32>
    %slice3A_25 = vector.extract_strided_slice %get3A_20 {offsets = [0, 0], sizes = [1, 768], strides = [1, 1]} : vector<2x768xf32> to vector<1x768xf32>
    %add3A = vector.broadcast %slice3A_25 : vector<1x768xf32> to vector<16x768xf32>
    %add3A_26 = arith.addf %mul3A_24, %add3A : vector<16x768xf32>
    %mul3A_27 = vector.broadcast %slice3A : vector<16x1xf32> to vector<16x768xf32>
    %mul3A_28 = arith.mulf %mul3A_27, %add3A_26 : vector<16x768xf32>
    %slice3A_29 = vector.extract_strided_slice %get3A_11 {offsets = [0, 1], sizes = [16, 1], strides = [1, 1]} : vector<16x2xf32> to vector<16x1xf32>
    %slice3A_30 = vector.extract_strided_slice %get3A_8 {offsets = [0, 1], sizes = [16, 1], strides = [1, 1]} : vector<16x2xf32> to vector<16x1xf32>
    %slice3A_31 = vector.extract_strided_slice %get3A_17 {offsets = [1, 0], sizes = [1, 768], strides = [1, 1]} : vector<2x768xf32> to vector<1x768xf32>
    %mul3A_32 = vector.broadcast %slice3A_30 : vector<16x1xf32> to vector<16x768xf32>
    %mul3A_33 = vector.broadcast %slice3A_31 : vector<1x768xf32> to vector<16x768xf32>
    %mul3A_34 = arith.mulf %mul3A_32, %mul3A_33 : vector<16x768xf32>
    %slice3A_35 = vector.extract_strided_slice %get3A_20 {offsets = [1, 0], sizes = [1, 768], strides = [1, 1]} : vector<2x768xf32> to vector<1x768xf32>
    %add3A_36 = vector.broadcast %slice3A_35 : vector<1x768xf32> to vector<16x768xf32>
    %add3A_37 = arith.addf %mul3A_34, %add3A_36 : vector<16x768xf32>
    %mul3A_38 = vector.broadcast %slice3A_29 : vector<16x1xf32> to vector<16x768xf32>
    %mul3A_39 = arith.mulf %mul3A_38, %add3A_37 : vector<16x768xf32>
    %add3A_40 = arith.addf %mul3A_28, %mul3A_39 : vector<16x768xf32>
    %mul3A_41 = vector.broadcast %get3A_14 : vector<16x1xf32> to vector<16x768xf32>
    %mul3A_42 = arith.mulf %add3A_40, %mul3A_41 : vector<16x768xf32>
    %get3A_43 = arith.constant 0 : index
    %get3A_44 = arith.constant 0 : index
    %get3A_45 = vector.load %arg5[%get3A_43, %get3A_44] : memref<256x2xf32, #tpu.memory_space<vmem>>, vector<256x2xf32>
    %get3A_46 = arith.constant 0 : index
    %get3A_47 = arith.constant 0 : index
    %get3A_48 = vector.load %arg6[%get3A_46, %get3A_47] : memref<256x2xf32, #tpu.memory_space<vmem>>, vector<256x2xf32>
    %get3A_49 = arith.constant 0 : index
    %get3A_50 = arith.constant 0 : index
    %get3A_51 = vector.load %arg7[%get3A_49, %get3A_50] : memref<256x1xf32, #tpu.memory_space<vmem>>, vector<256x1xf32>
    %get3A_52 = arith.constant 0 : index
    %get3A_53 = arith.constant 0 : index
    %get3A_54 = vector.load %arg11[%get3A_52, %get3A_53] : memref<2x768xf32, #tpu.memory_space<vmem>>, vector<2x768xf32>
    %get3A_55 = arith.constant 0 : index
    %get3A_56 = arith.constant 0 : index
    %get3A_57 = vector.load %arg12[%get3A_55, %get3A_56] : memref<2x768xf32, #tpu.memory_space<vmem>>, vector<2x768xf32>
    %slice3A_58 = vector.extract_strided_slice %get3A_48 {offsets = [0, 0], sizes = [256, 1], strides = [1, 1]} : vector<256x2xf32> to vector<256x1xf32>
    %mul3A_59 = arith.mulf %get3A_51, %slice3A_58 : vector<256x1xf32>
    %slice3A_60 = vector.extract_strided_slice %get3A_48 {offsets = [0, 1], sizes = [256, 1], strides = [1, 1]} : vector<256x2xf32> to vector<256x1xf32>
    %mul3A_61 = arith.mulf %get3A_51, %slice3A_60 : vector<256x1xf32>
    %slice3A_62 = vector.extract_strided_slice %get3A_45 {offsets = [0, 0], sizes = [256, 1], strides = [1, 1]} : vector<256x2xf32> to vector<256x1xf32>
    %mul3A_63 = arith.mulf %mul3A_59, %slice3A_62 : vector<256x1xf32>
    %slice3A_64 = vector.extract_strided_slice %get3A_54 {offsets = [0, 0], sizes = [1, 768], strides = [1, 1]} : vector<2x768xf32> to vector<1x768xf32>
    %mul3A_65 = vector.broadcast %mul3A_63 : vector<256x1xf32> to vector<256x768xf32>
    %mul3A_66 = vector.broadcast %slice3A_64 : vector<1x768xf32> to vector<256x768xf32>
    %mul3A_67 = arith.mulf %mul3A_65, %mul3A_66 : vector<256x768xf32>
    %slice3A_68 = vector.extract_strided_slice %get3A_57 {offsets = [0, 0], sizes = [1, 768], strides = [1, 1]} : vector<2x768xf32> to vector<1x768xf32>
    %mul3A_69 = vector.broadcast %mul3A_59 : vector<256x1xf32> to vector<256x768xf32>
    %mul3A_70 = vector.broadcast %slice3A_68 : vector<1x768xf32> to vector<256x768xf32>
    %mul3A_71 = arith.mulf %mul3A_69, %mul3A_70 : vector<256x768xf32>
    %add3A_72 = arith.addf %mul3A_67, %mul3A_71 : vector<256x768xf32>
    %slice3A_73 = vector.extract_strided_slice %get3A_45 {offsets = [0, 1], sizes = [256, 1], strides = [1, 1]} : vector<256x2xf32> to vector<256x1xf32>
    %mul3A_74 = arith.mulf %mul3A_61, %slice3A_73 : vector<256x1xf32>
    %slice3A_75 = vector.extract_strided_slice %get3A_54 {offsets = [1, 0], sizes = [1, 768], strides = [1, 1]} : vector<2x768xf32> to vector<1x768xf32>
    %mul3A_76 = vector.broadcast %mul3A_74 : vector<256x1xf32> to vector<256x768xf32>
    %mul3A_77 = vector.broadcast %slice3A_75 : vector<1x768xf32> to vector<256x768xf32>
    %mul3A_78 = arith.mulf %mul3A_76, %mul3A_77 : vector<256x768xf32>
    %add3A_79 = arith.addf %add3A_72, %mul3A_78 : vector<256x768xf32>
    %slice3A_80 = vector.extract_strided_slice %get3A_57 {offsets = [1, 0], sizes = [1, 768], strides = [1, 1]} : vector<2x768xf32> to vector<1x768xf32>
    %mul3A_81 = vector.broadcast %mul3A_61 : vector<256x1xf32> to vector<256x768xf32>
    %mul3A_82 = vector.broadcast %slice3A_80 : vector<1x768xf32> to vector<256x768xf32>
    %mul3A_83 = arith.mulf %mul3A_81, %mul3A_82 : vector<256x768xf32>
    %add3A_84 = arith.addf %add3A_79, %mul3A_83 : vector<256x768xf32>
    %reshape3A = vector.shape_cast %broadcast_in_dim3A_5 : vector<16x768xf32> to vector<16x1x768xf32>
    %swap3A = arith.constant 0 : index
    %swap3A_85 = arith.constant 0 : index
    %swap3A_86 = arith.constant 0 : index
    %swap3A_87 = vector.load %arg13[%swap3A, %swap3A_85, %swap3A_86] : memref<16x82x768xf32, #tpu.memory_space<vmem>>, vector<16x1x768xf32>
    tpu.vector_store %arg13[%swap3A, %swap3A_85, %swap3A_86], %reshape3A {strides = array<i32>} : memref<16x82x768xf32, #tpu.memory_space<vmem>>, vector<16x1x768xf32>,
    %reshape3A_88 = vector.shape_cast %mul3A_42 : vector<16x768xf32> to vector<16x1x768xf32>
    %swap3A_89 = arith.constant 0 : index
    %swap3A_90 = arith.constant 1 : index
    %swap3A_91 = arith.constant 0 : index
    %swap3A_92 = vector.load %arg13[%swap3A_89, %swap3A_90, %swap3A_91] : memref<16x82x768xf32, #tpu.memory_space<vmem>>, vector<16x1x768xf32>
    tpu.vector_store %arg13[%swap3A_89, %swap3A_90, %swap3A_91], %reshape3A_88 {strides = array<i32>} : memref<16x82x768xf32, #tpu.memory_space<vmem>>, vector<16x1x768xf32>,
    %reshape3A_93 = vector.shape_cast %add3A_84 : vector<256x768xf32> to vector<16x16x768xf32>
    %swap3A_94 = arith.constant 0 : index
    %swap3A_95 = arith.constant 2 : index
    %swap3A_96 = arith.constant 0 : index
    %swap3A_97 = vector.load %arg13[%swap3A_94, %swap3A_95, %swap3A_96] : memref<16x82x768xf32, #tpu.memory_space<vmem>>, vector<16x16x768xf32>
    tpu.vector_store %arg13[%swap3A_94, %swap3A_95, %swap3A_96], %reshape3A_93 {strides = array<i32>} : memref<16x82x768xf32, #tpu.memory_space<vmem>>, vector<16x16x768xf32>,
    %reshape3A_98 = vector.shape_cast %get3A_1 : vector<1024x768xf32> to vector<16x64x768xf32>
    %swap3A_99 = arith.constant 0 : index
    %swap3A_100 = arith.constant 18 : index
    %swap3A_101 = arith.constant 0 : index
    %swap3A_102 = vector.load %arg13[%swap3A_99, %swap3A_100, %swap3A_101] : memref<16x82x768xf32, #tpu.memory_space<vmem>>, vector<16x64x768xf32>
    tpu.vector_store %arg13[%swap3A_99, %swap3A_100, %swap3A_101], %reshape3A_98 {strides = array<i32>} : memref<16x82x768xf32, #tpu.memory_space<vmem>>, vector<16x64x768xf32>,
    return
  }
  func.func @transform_0(%arg0: i32) -> (i32, i32) {
    %c0_i32 = arith.constant 0 : i32
    %c0_i32_0 = arith.constant 0 : i32
    return %arg0, %c0_i32 : i32, i32
  }
  func.func @transform_1(%arg0: i32) -> (i32, i32) {
    %c0_i32 = arith.constant 0 : i32
    %c0_i32_0 = arith.constant 0 : i32
    return %arg0, %c0_i32 : i32, i32
  }
  func.func @transform_2(%arg0: i32) -> (i32, i32) {
    %c0_i32 = arith.constant 0 : i32
    %c0_i32_0 = arith.constant 0 : i32
    return %arg0, %c0_i32 : i32, i32
  }
  func.func @transform_3(%arg0: i32) -> (i32, i32) {
    %c0_i32 = arith.constant 0 : i32
    %c0_i32_0 = arith.constant 0 : i32
    return %arg0, %c0_i32 : i32, i32
  }
  func.func @transform_4(%arg0: i32) -> (i32, i32) {
    %c0_i32 = arith.constant 0 : i32
    %c0_i32_0 = arith.constant 0 : i32
    return %arg0, %c0_i32 : i32, i32
  }
  func.func @transform_5(%arg0: i32) -> (i32, i32) {
    %c0_i32 = arith.constant 0 : i32
    %c0_i32_0 = arith.constant 0 : i32
    return %arg0, %c0_i32 : i32, i32
  }
  func.func @transform_6(%arg0: i32) -> (i32, i32) {
    %c0_i32 = arith.constant 0 : i32
    %c0_i32_0 = arith.constant 0 : i32
    return %arg0, %c0_i32 : i32, i32
  }
  func.func @transform_7(%arg0: i32) -> (i32, i32) {
    %c0_i32 = arith.constant 0 : i32
    %c0_i32_0 = arith.constant 0 : i32
    %c0_i32_1 = arith.constant 0 : i32
    return %c0_i32, %c0_i32_0 : i32, i32
  }
  func.func @transform_8(%arg0: i32) -> (i32, i32) {
    %c0_i32 = arith.constant 0 : i32
    %c0_i32_0 = arith.constant 0 : i32
    %c0_i32_1 = arith.constant 0 : i32
    return %c0_i32, %c0_i32_0 : i32, i32
  }
  func.func @transform_9(%arg0: i32) -> (i32, i32) {
    %c0_i32 = arith.constant 0 : i32
    %c0_i32_0 = arith.constant 0 : i32
    %c0_i32_1 = arith.constant 0 : i32
    return %c0_i32, %c0_i32_0 : i32, i32
  }
  func.func @transform_10(%arg0: i32) -> (i32, i32) {
    %c0_i32 = arith.constant 0 : i32
    %c0_i32_0 = arith.constant 0 : i32
    %c0_i32_1 = arith.constant 0 : i32
    return %c0_i32, %c0_i32_0 : i32, i32
  }
  func.func @transform_11(%arg0: i32) -> (i32, i32) {
    %c0_i32 = arith.constant 0 : i32
    %c0_i32_0 = arith.constant 0 : i32
    %c0_i32_1 = arith.constant 0 : i32
    return %c0_i32, %c0_i32_0 : i32, i32
  }
  func.func @transform_12(%arg0: i32) -> (i32, i32, i32) {
    %c0_i32 = arith.constant 0 : i32
    %c0_i32_0 = arith.constant 0 : i32
    %c0_i32_1 = arith.constant 0 : i32
    return %arg0, %c0_i32, %c0_i32_0 : i32, i32, i32
  }
}

</mosaic_0001>

<sc_bundles>
// kernel: kernel.4.cloned.1.call-start
scs
__scs_entry_jumppad:
0x0: {  	(pc) =	sbr.rel $0x88, $3  }
0x1: {  	(tag) =	ssettag $0x0;
	lr =	simm.s32 $0x1  }
0x2: {  	[smem:$0x3F91] =	sst lr;
	_ =	strace $0xD0000000  }
0x3: {  	_ = 	snop  }
0x4: {  	_ = 	snop  }
0x5: {  	_ = 	snop  }
0x6: {  	_ = 	snop  }
0x7: {  	_ = 	snop  }
__scs_overlays_trampoline_lowered:
0x8: {  	[smem:$0x3FA0] =	sst s0  }
0x9: {  	[smem:$0x3FA1] =	sst s1  }
0xa: {  	[smem:$0x3FA2] =	sst s2  }
0xb: {  	[smem:$0x3FA3] =	sst s3  }
0xc: {  	[smem:$0x3FA4] =	sst s4  }
0xd: {  	[smem:$0x3FA5] =	sst s5  }
0xe: {  	[smem:$0x3FA6] =	sst s6  }
0xf: {  	[smem:$0x3FA7] =	sst s7  }
0x10: {  	[smem:$0x3FA8] =	sst s8  }
0x11: {  	[smem:$0x3FA9] =	sst s9;
	s0 =	simm.s32 @!p0 $0x0  }
0x12: {  	s1 =	sld [smem:$0x3F8F];
	s0 =	simm.s32 @p0 $0x1  }
0x13: {  	[smem:$0x3FAA] =	sst s0;
	s0 =	simm.s32 @!p1 $0x0  }
0x14: {  	s2 =	sld [smem:$0x3F8E];
	s0 =	simm.s32 @p1 $0x1  }
0x15: {  	[smem:$0x3FAB] =	sst s0;
	s0 =	simm.s32 @!p2 $0x0  }
0x16: {  	s3 =	sld [smem:$0x3FDB];
	s0 =	simm.s32 @p2 $0x1  }
0x17: {  	s4 =	simm.s32 $0x1BF5;
	[smem:$0x3FAD] =	sst s0  }
0x18: {  	s0 =	sld [smem:$0x3F90];
	_ =	swait.ge [sflag:s4], $0x0  }
0x19: {  	s7 =	sld [smem:$0x3F91]  }
0x1a: {  	s8 =	sadd.s32 $0xFFFFE003, lr  }
0x1b: {  	s9 =	sadd.s32 $0xFFFFFEF7, lr;
	s5 =	simm.s32 $0xFFFFFFFF;
	p2 =	slt.u32 s8, $0xFFFFF086  }
0x1c: {  	p1 =	slt.u32 s9, $0xF7A;
	s5 =	simm.s32 @!p2 $0x0  }
0x1d: {  	s5 =	simm.s32 @p1 $0x1;
	p0 =	seq.s32 s7, s2  }
0x1e: {  	s7 =	smul.u32 @!p0 $0xF7A, s2;
	p2 =	seq.s32 @!p0 s5, $0x0  }
0x1f: {  	s9 =	smul.u32 $0xF7A, s1;
	s8 =	simm.s32 @!p0 $0x1BF5;
	p2 =	por !p2, p0  }
0x20: {  	[sflag:s8] =	ssyncset.s32 @!p0 $0xFFFFF086;
	s6 =	sadd.s32 @!p0 s3, s7;
	s7 =	simm.s32 @!p0 $0x108  }
0x21: {  	s3 =	sadd.s32 s3, s9;
	s6 =	sadd.s32 @!p0 $0x88, s6;
	s7 =	simm.s32 @p2 $0x1082  }
0x22: {  	[simem:s7], [sflag:s8] =	dma.local @!p0 [hbm:s6], $0xF7A  }
0x23: {  	s9 =	sor.u32 $0xD0000000, s2;
	s6 =	simm.s32 $0x108;
	_ =	swait.ge @!p0 [sflag:s8], $0x0  }
0x24: {  	s3 =	sadd.s32 $0x88, s3;
	s6 =	simm.s32 @!p1 $0x1082;
	[sflag:s4] =	ssyncset.s32 $0xFFFFF086  }
0x25: {  	[simem:s6], [sflag:s4] =	dma.local [hbm:s3], $0xF7A  }
0x26: {  	[smem:$0x3F91] =	sst s1;
	(tag) =	ssettag s2;
	_ =	strace s9  }
0x27: {  	s1 =	sld [smem:$0x3FA1]  }
0x28: {  	s2 =	sld [smem:$0x3FA2]  }
0x29: {  	s4 =	sld [smem:$0x3FA4]  }
0x2a: {  	p0 =	seq.s32 s5, $0x0;
	s5 =	sld [smem:$0x3FA5]  }
0x2b: {  	s6 =	sld [smem:$0x3FA6]  }
0x2c: {  	s7 =	sld [smem:$0x3FA7]  }
0x2d: {  	s3 =	simm.s32 $0x108;
	s8 =	sld [smem:$0x3FA8]  }
0x2e: {  	s3 =	simm.s32 @!p0 $0x1082;
	s9 =	sld [smem:$0x3FA9]  }
0x2f: {  	lr =	sadd.s32 s0, s3;
	s0 =	sld [smem:$0x3FA0]  }
0x30: {  	s3 =	sld [smem:$0x3FA3]  }
0x31: {  	[smem:$0x3FAC] =	sst s10  }
0x32: {  	s10 =	sld [smem:$0x3FAA];
	_ =	sdelay $0x3  }
0x33: {  	p0 =	seq.s32 s10, $0x1;
	s10 =	sld [smem:$0x3FAC];
	_ =	sdelay $0x3  }
0x34: {  	[smem:$0x3FAC] =	sst s10  }
0x35: {  	s10 =	sld [smem:$0x3FAB];
	_ =	sdelay $0x3  }
0x36: {  	p1 =	seq.s32 s10, $0x1;
	s10 =	sld [smem:$0x3FAC];
	_ =	sdelay $0x3  }
0x37: {  	[smem:$0x3FAC] =	sst s10  }
0x38: {  	s10 =	sld [smem:$0x3FAD]  }
0x39: {  	_ = 	snop;
	(pc) =	sbr.ind lr, $3  }
0x3a: {  	_ = 	snop  }
0x3b: {  	_ = 	snop  }
0x3c: {  	p2 =	seq.s32 s10, $0x1;
	s10 =	sld [smem:$0x3FAC]  }
0x3d: {  	_ =	shalt  }
0x3e: {  	_ =	shalt  }
0x3f: {  	_ =	shalt  }
0x40: {  	_ =	shalt  }
0x41: {  	_ =	shalt  }
0x42: {  	_ =	shalt  }
0x43: {  	_ =	shalt  }
0x44: {  	_ =	shalt  }
0x45: {  	_ =	shalt  }
0x46: {  	_ =	shalt  }
0x47: {  	_ =	shalt  }
0x48: {  	_ =	shalt  }
0x49: {  	_ =	shalt  }
0x4a: {  	_ =	shalt  }
0x4b: {  	_ =	shalt  }
0x4c: {  	_ =	shalt  }
0x4d: {  	_ =	shalt  }
0x4e: {  	_ =	shalt  }
0x4f: {  	_ =	shalt  }
0x50: {  	_ =	shalt  }
0x51: {  	_ =	shalt  }
0x52: {  	_ =	shalt  }
0x53: {  	_ =	shalt  }
0x54: {  	_ =	shalt  }
0x55: {  	_ =	shalt  }
0x56: {  	_ =	shalt  }
0x57: {  	_ =	shalt  }
0x58: {  	_ =	shalt  }
0x59: {  	_ =	shalt  }
0x5a: {  	_ =	shalt  }
0x5b: {  	_ =	shalt  }
0x5c: {  	_ =	shalt  }
0x5d: {  	_ =	shalt  }
0x5e: {  	_ =	shalt  }
0x5f: {  	_ =	shalt  }
0x60: {  	_ =	shalt  }
0x61: {  	_ =	shalt  }
0x62: {  	_ =	shalt  }
0x63: {  	_ =	shalt  }
0x64: {  	_ =	shalt  }
0x65: {  	_ =	shalt  }
0x66: {  	_ =	shalt  }
0x67: {  	_ =	shalt  }
0x68: {  	_ =	shalt  }
0x69: {  	_ =	shalt  }
0x6a: {  	_ =	shalt  }
0x6b: {  	_ =	shalt  }
0x6c: {  	_ =	shalt  }
0x6d: {  	_ =	shalt  }
0x6e: {  	_ =	shalt  }
0x6f: {  	_ =	shalt  }
0x70: {  	_ =	shalt  }
0x71: {  	_ =	shalt  }
0x72: {  	_ =	shalt  }
0x73: {  	_ =	shalt  }
0x74: {  	_ =	shalt  }
0x75: {  	_ =	shalt  }
0x76: {  	_ =	shalt  }
0x77: {  	_ =	shalt  }
0x78: {  	_ =	shalt  }
0x79: {  	_ =	shalt  }
0x7a: {  	_ =	shalt  }
0x7b: {  	_ =	shalt  }
0x7c: {  	_ =	shalt  }
0x7d: {  	_ =	shalt  }
0x7e: {  	_ =	shalt  }
0x7f: {  	_ =	shalt  }
0x80: {  	_ =	shalt  }
0x81: {  	_ =	shalt  }
0x82: {  	_ =	shalt  }
0x83: {  	_ =	shalt  }
0x84: {  	_ =	shalt  }
0x85: {  	_ =	shalt  }
0x86: {  	_ =	shalt  }
0x87: {  	_ =	shalt  }
.Lfunc_end0:
.L_simem_size_0:
called_computation_lowered:
.L_overlay_start_0:
0x88: {  	s2 =	sld [smem:$0x3FD9]  }
0x89: {  	s3 =	sld [smem:$0x3FFE];
	_ =	sdelay $0x1  }
0x8a: {  	s1 =	srdreg.scid  }
0x8b: {  	s0 =	sand.u32 $0x1, s1  }
0x8c: {  	s17 =	sshll.u32 s0, $0xA;
	s2 =	sadd.s32 s3, s2  }
0x8d: {  	s2 =	sadd.s32 s2, s17  }
0x8e: {  	[smem:$0x3FB8] =	sst s2  }
0x8f: {  	_ = 	snop  }
0x90: {  	s2 =	sld [smem:$0x3FC1]  }
0x91: {  	s18 =	sld [smem:$0x3FD0];
	(tm) =	ssettm $0x1  }
0x92: {  	s4 =	sld [smem:$0x3FFB];
	_ =	sdelay $0x3  }
0x93: {  	_ =	strace s4  }
0x94: {  	s4 =	sld [smem:$0x3FFC];
	_ =	sdelay $0x3  }
0x95: {  	_ =	strace s4  }
0x96: {  	s4 =	sld [smem:$0x3FFD];
	_ =	sdelay $0x3  }
0x97: {  	_ =	strace s4  }
0x98: {  	_ =	strace $0x8FFFFFFF  }
0x99: {  	s19 =	sld [smem:$0x3FDB];
	_ =	sdelay $0x1  }
0x9a: {  	s5 =	simm.s32 $_scs_section_size  }
0x9b: {  	s6 =	simm.s32 $_size__tile_overlayer_lowered;
	s7 =	simm.s32 $_tile_overlayer_lowered  }
0x9c: {  	s22 =	simm.s32 $0x1BFF;
	s21 =	sshll.u32 s7, $0x1;
	s4 =	sadd.s32 s5, s19  }
0x9d: {  	s8 =	simm.s32 $0x0;
	s20 =	sshll.u32 s6, $0x1;
	s6 =	sadd.s32 s21, s4  }
0x9e: {  	[timem:s8], [sflag:s22] =	dma.local [hbm:s6], s20  }
0x9f: {  	_ =	swait.ge [sflag:s22], s20  }
0xa0: {  	s5 =	ssub.s32 $0x0, s20;
	[sflag:s22] =	ssyncset.done $0x0  }
0xa1: {  	[sflag:s22] =	ssyncadd.s32 s5;
	_ =	sdelay $0x1  }
0xa2: {  	s23 =	simm.s32 $0x1B8B  }
0xa3: {  	_ =	swait.ge [sflag:s23], $0x1  }
0xa4: {  	[sflag:s23] =	ssyncset.done $0x0  }
0xa5: {  	s25 =	simm.s32 $0x1B8E;
	s24 =	sld [smem:$0x3FFE];
	[sflag:s23] =	ssyncadd.s32 $0xFFFFFFFF  }
0xa6: {  	s26 =	simm.s32 $execute0_lowered;
	[smem:$0x3FD2] =	sst s25  }
0xa7: {  	s6 =	sshll.u32 s26, $0x1;
	_ =	strace $0x80000046;
	[dreg:$0x1] =	wrdreg $0xFFFFFFFF  }
0xa8: {  	s28 =	simm.s32 $_size_execute0_lowered;
	s4 =	sadd.s32 s4, s6;
	[dreg:$0x0] =	wrdreg $0x0  }
0xa9: {  	s6 =	sshll.u32 s28, $0x1;
	[dreg:$0x2] =	wrdreg s4  }
0xaa: {  	[dreg:$0x3] =	wrdreg s6  }
0xab: {  	[dreg:$0x4] =	wrdreg $0xC0  }
0xac: {  	_ =	task [dreg:s8], $0x5FFFF  }
0xad: {  	[dreg:$0x1] =	wrdreg $0xFFFFFFFF  }
0xae: {  	[dreg:$0x0] =	wrdreg $0x60  }
0xaf: {  	[dreg:$0x2] =	wrdreg s24  }
0xb0: {  	[dreg:$0x3] =	wrdreg s2  }
0xb1: {  	[dreg:$0x4] =	wrdreg s18  }
0xb2: {  	[dreg:$0x5] =	wrdreg $0x9  }
0xb3: {  	_ =	task.clear_ibuf [dreg:s8], $0x6FFFF;
	_ =	strace $0x90000046  }
0xb4: {  	s29 =	simm.s32 $0x9;
	_ =	strace $0x80000048  }
0xb5: {  	_ =	swait.ge [sflag:s29], $0x1  }
0xb6: {  	[sflag:s29] =	ssyncadd.s32 $0xFFFFFFFF  }
0xb7: {  	_ =	strace $0x90000048  }
0xb8: {  	_ =	sfence  }
0xb9: {  	s30 =	sld [smem:$0x0];
	_ =	sdelay $0x2  }
0xba: {  	s31 =	sshll.u32 s1, $0xD;
	s1 =	sshrl.u32 s1, $0x2  }
0xbb: {  	s3 =	sand.u32 $0x4000, s31;
	s1 =	sadd.s32 s1, s30  }
0xbc: {  	s0 =	sor.u32 s3, s0;
	s1 =	sshll.u32 s1, $0x11  }
0xbd: {  	s0 =	sor.u32 s1, s0  }
0xbe: {  	s0 =	sadd.s32 $0x8F2B, s0  }
0xbf: {  	[sflag:s0] =	ssyncadd.remote.s32 $0x1  }
0xc0: {  	_ =	sfence.sel $0xFFFF  }
0xc1: {  	[dreg:$0x0] =	wrdreg $0xFFFFFFFF;
	(pc) =	sbr.abs _section_cstart, $3  }
0xc2: {  	[dreg:$0x1] =	wrdreg $0xFFFFFFFF  }
0xc3: {  	_ =	task.clear_ibuf [dreg:s8], $0x2FFFF;
	_ =	strace $0x9FFFFFFF  }
0xc4: {  	(tm) =	ssettm $0x7FFFFFFF  }
0xc5: {  	_ =	shalt  }
tec
execute0_lowered:
.L_overlay_start_1:
0x0: {  	(tag) =	ssettag $0x1  }
0x1: {  	s0 =	rddreg [dreg:$0x0];
	s1 =	simm.s32 $0x0;
	s28 =	srdreg.scid  }
0x2: {  	s4 =	stileid.u32;
	s11 =	simm.s32 $0x2;
	s30 =	simm.s32 $0x8880  }
0x3: {  	s31 =	simm.s32 $0x9080;
	s10 =	simm.s32 $0xA880;
	s12 =	simm.s32 $0xC880  }
0x4: {  	s13 =	simm.s32 $0xD080;
	s14 =	simm.s32 $0xD880;
	s15 =	simm.s32 $0xE080  }
0x5: {  	s16 =	simm.s32 $0xE880;
	s17 =	simm.s32 $0x1;
	s18 =	simm.s32 $0xF080  }
0x6: {  	s20 =	simm.s32 $0x0;
	[smem:$0x7FF] =	sst s1;
	s5 =	sadd.s32 $0x1E00, s0  }
0x7: {  	s1 =	sand.u32 $0x1, s28;
	s6 =	sadd.s32 $0x6E00, s0;
	s4 =	sshll.u32 s4, $0xA  }
0x8: {  	s8 =	sadd.s32 $0x6F00, s0;
	s9 =	sadd.s32 $0x7000, s0;
	s2 =	ssub.s32 $0x2, s1  }
0x9: {  	s0 =	simm.s32 $0x9880;
	s1 =	sshll.u32 s1, $0x9;
	s3 =	sshrl.u32 s2, $0x1  }
0xa: {  	v2 =	vlaneseq.u32;
	_ =	strace $0x80000047;
	s7 =	sor.u32 s1, s4;
	s2 =	ssub.s32 s2, s3  }
0xb: {  	vm0 =	vmmov $0xffff;
	v1 =	vshrl.u32 v2, $0x3;
	s4 =	simm.s32 $0xA080;
	s1 =	simm.s32 $0xB080;
	s29 =	smax.u32 s2, $0x1  }
0xc: {  	v0 =	vand.u32 $0x7, v2;
	v2 =	vor.u32 $0x8, v2;
	v1 =	vmul.u32 $0x8, v1;
	s3 =	simm.s32 $0xC080;
	s2 =	simm.s32 $0xB880;
	[dreg:$0x4] =	wrdreg s29  }
.LBB2_1:
0xd: {  	[dreg:$0x5] =	wrdreg s20;
	s19 =	simm.s32 $0x0  }
.LBB2_2:
0xe: {  	s20 =	sshll.u32 s19, $0x3  }
0xf: {  	s20 =	sadd.s32 s7, s20  }
0x10: {  	s21 =	smul.u32 $0xA, s20;
	_ =	sdelay $0x1  }
0x11: {  	s21 =	sshrl.u32 s21, $0x3  }
0x12: {  	s22 =	simm.s32 $0x0;
	s21 =	sadd.s32 s5, s21  }
0x13: {  	[tilespmem:s22], [sflag:$0x2] =	stream.linear.gather [hbm4b:s21+s22], $0x50, $0x38;
	[tilespmem:$0x10880] =	vst v63  }
0x14: {  	_ =	swait.ge [sflag:s11], $0x50  }
0x15: {  	[sflag:s11] =	ssyncset.done $0x0  }
0x16: {  	[sflag:s11] =	ssyncadd.s32 $0xFFFFFFB0  }
0x17: {  	v3 =	vld [tilespmem:$0x0];
	_ =	sdelay $0x4  }
0x18: {  	v4 =	vshrl.u32 v3, $0x3  }
0x19: {  	v4 =	vmul.u32 $0x30, v4  }
0x1a: {  	v3 =	vand.u32 $0x7, v3  }
0x1b: {  	v3 =	vor.u32 v3, v4  }
0x1c: {  	v4 =	vperm.xlane v3, v0;
	_ =	sdelay $0x1  }
0x1d: {  	v4 =	vadd.s32 v1, v4;
	_ =	sdelay $0x3  }
0x1e: {  	s29 =	simm.s32 $0x80;
	v3 =	vperm.xlane v3, v2  }
0x1f: {  	[tilespmem:s29], [sflag:$0x1] =	stream.indirect_vreg.gather [hbm4b:s6+s22], $0x80, v4, vm0, $0xb8;
	[tilespmem:$0x10880] =	vst v63  }
0x20: {  	s23 =	simm.s32 $0x880;
	v3 =	vadd.s32 v1, v3  }
0x21: {  	[tilespmem:s23], [sflag:$0x1] =	stream.indirect_vreg.gather [hbm4b:s8+s22], $0x80, v4, vm0, $0xb8;
	[tilespmem:$0x10880] =	vst v63  }
0x22: {  	s24 =	simm.s32 $0x1080  }
0x23: {  	[tilespmem:s24], [sflag:$0x1] =	stream.indirect_vreg.gather [hbm4b:s9+s22], $0x80, v4, vm0, $0xb8;
	[tilespmem:$0x10880] =	vst v63  }
0x24: {  	s25 =	simm.s32 $0x1880  }
0x25: {  	[tilespmem:s25], [sflag:$0x1] =	stream.indirect_vreg.gather [hbm4b:s6+s22], $0x80, v3, vm0, $0xb8;
	[tilespmem:$0x10880] =	vst v63  }
0x26: {  	s26 =	simm.s32 $0x2080  }
0x27: {  	[tilespmem:s26], [sflag:$0x1] =	stream.indirect_vreg.gather [hbm4b:s8+s22], $0x80, v3, vm0, $0xb8;
	[tilespmem:$0x10880] =	vst v63  }
0x28: {  	s29 =	simm.s32 $0x2880  }
0x29: {  	[tilespmem:s29], [sflag:$0x1] =	stream.indirect_vreg.gather [hbm4b:s9+s22], $0x80, v3, vm0, $0xb8;
	[tilespmem:$0x10880] =	vst v63  }
0x2a: {  	v3 =	vld [tilespmem:$0x10];
	_ =	sdelay $0x4  }
0x2b: {  	v4 =	vshrl.u32 v3, $0x3  }
0x2c: {  	v4 =	vmul.u32 $0x30, v4  }
0x2d: {  	v3 =	vand.u32 $0x7, v3  }
0x2e: {  	v3 =	vor.u32 v3, v4  }
0x2f: {  	v4 =	vperm.xlane v3, v0;
	_ =	sdelay $0x1  }
0x30: {  	v4 =	vadd.s32 v1, v4;
	_ =	sdelay $0x3  }
0x31: {  	s23 =	simm.s32 $0x3080;
	v3 =	vperm.xlane v3, v2  }
0x32: {  	[tilespmem:s23], [sflag:$0x1] =	stream.indirect_vreg.gather [hbm4b:s6+s22], $0x80, v4, vm0, $0xb8;
	[tilespmem:$0x10880] =	vst v63  }
0x33: {  	s24 =	simm.s32 $0x3880;
	v3 =	vadd.s32 v1, v3  }
0x34: {  	[tilespmem:s24], [sflag:$0x1] =	stream.indirect_vreg.gather [hbm4b:s8+s22], $0x80, v4, vm0, $0xb8;
	[tilespmem:$0x10880] =	vst v63  }
0x35: {  	s25 =	simm.s32 $0x4080  }
0x36: {  	[tilespmem:s25], [sflag:$0x1] =	stream.indirect_vreg.gather [hbm4b:s9+s22], $0x80, v4, vm0, $0xb8;
	[tilespmem:$0x10880] =	vst v63  }
0x37: {  	s26 =	simm.s32 $0x4880  }
0x38: {  	[tilespmem:s26], [sflag:$0x1] =	stream.indirect_vreg.gather [hbm4b:s6+s22], $0x80, v3, vm0, $0xb8;
	[tilespmem:$0x10880] =	vst v63  }
0x39: {  	s29 =	simm.s32 $0x5080  }
0x3a: {  	[tilespmem:s29], [sflag:$0x1] =	stream.indirect_vreg.gather [hbm4b:s8+s22], $0x80, v3, vm0, $0xb8;
	[tilespmem:$0x10880] =	vst v63  }
0x3b: {  	s23 =	simm.s32 $0x5880  }
0x3c: {  	[tilespmem:s23], [sflag:$0x1] =	stream.indirect_vreg.gather [hbm4b:s9+s22], $0x80, v3, vm0, $0xb8;
	[tilespmem:$0x10880] =	vst v63  }
0x3d: {  	v3 =	vld [tilespmem:$0x20];
	_ =	sdelay $0x4  }
0x3e: {  	v4 =	vshrl.u32 v3, $0x3  }
0x3f: {  	v4 =	vmul.u32 $0x30, v4  }
0x40: {  	v3 =	vand.u32 $0x7, v3  }
0x41: {  	v3 =	vor.u32 v3, v4  }
0x42: {  	v4 =	vperm.xlane v3, v0;
	_ =	sdelay $0x1  }
0x43: {  	v4 =	vadd.s32 v1, v4;
	_ =	sdelay $0x3  }
0x44: {  	s24 =	simm.s32 $0x6080;
	v3 =	vperm.xlane v3, v2  }
0x45: {  	[tilespmem:s24], [sflag:$0x1] =	stream.indirect_vreg.gather [hbm4b:s6+s22], $0x80, v4, vm0, $0xb8;
	[tilespmem:$0x10880] =	vst v63  }
0x46: {  	s25 =	simm.s32 $0x6880;
	v3 =	vadd.s32 v1, v3  }
0x47: {  	[tilespmem:s25], [sflag:$0x1] =	stream.indirect_vreg.gather [hbm4b:s8+s22], $0x80, v4, vm0, $0xb8;
	[tilespmem:$0x10880] =	vst v63  }
0x48: {  	s26 =	simm.s32 $0x7080  }
0x49: {  	[tilespmem:s26], [sflag:$0x1] =	stream.indirect_vreg.gather [hbm4b:s9+s22], $0x80, v4, vm0, $0xb8;
	[tilespmem:$0x10880] =	vst v63  }
0x4a: {  	s29 =	simm.s32 $0x7880  }
0x4b: {  	[tilespmem:s29], [sflag:$0x1] =	stream.indirect_vreg.gather [hbm4b:s6+s22], $0x80, v3, vm0, $0xb8;
	[tilespmem:$0x10880] =	vst v63  }
0x4c: {  	s23 =	simm.s32 $0x8080  }
0x4d: {  	[tilespmem:s23], [sflag:$0x1] =	stream.indirect_vreg.gather [hbm4b:s8+s22], $0x80, v3, vm0, $0xb8;
	[tilespmem:$0x10880] =	vst v63  }
0x4e: {  	_ = 	snop  }
0x4f: {  	[tilespmem:s30], [sflag:$0x1] =	stream.indirect_vreg.gather [hbm4b:s9+s22], $0x80, v3, vm0, $0xb8;
	[tilespmem:$0x10880] =	vst v63  }
0x50: {  	v3 =	vld [tilespmem:$0x30];
	_ =	sdelay $0x4  }
0x51: {  	v4 =	vshrl.u32 v3, $0x3  }
0x52: {  	v4 =	vmul.u32 $0x30, v4  }
0x53: {  	v3 =	vand.u32 $0x7, v3  }
0x54: {  	v3 =	vor.u32 v3, v4  }
0x55: {  	v4 =	vperm.xlane v3, v0;
	_ =	sdelay $0x1  }
0x56: {  	v4 =	vadd.s32 v1, v4;
	_ =	sdelay $0x3  }
0x57: {  	v3 =	vperm.xlane v3, v2  }
0x58: {  	[tilespmem:s31], [sflag:$0x1] =	stream.indirect_vreg.gather [hbm4b:s6+s22], $0x80, v4, vm0, $0xb8;
	[tilespmem:$0x10880] =	vst v63  }
0x59: {  	v3 =	vadd.s32 v1, v3  }
0x5a: {  	[tilespmem:s0], [sflag:$0x1] =	stream.indirect_vreg.gather [hbm4b:s8+s22], $0x80, v4, vm0, $0xb8;
	[tilespmem:$0x10880] =	vst v63  }
0x5b: {  	_ = 	snop  }
0x5c: {  	[tilespmem:s4], [sflag:$0x1] =	stream.indirect_vreg.gather [hbm4b:s9+s22], $0x80, v4, vm0, $0xb8;
	[tilespmem:$0x10880] =	vst v63  }
0x5d: {  	_ = 	snop  }
0x5e: {  	[tilespmem:s10], [sflag:$0x1] =	stream.indirect_vreg.gather [hbm4b:s6+s22], $0x80, v3, vm0, $0xb8;
	[tilespmem:$0x10880] =	vst v63  }
0x5f: {  	_ = 	snop  }
0x60: {  	[tilespmem:s1], [sflag:$0x1] =	stream.indirect_vreg.gather [hbm4b:s8+s22], $0x80, v3, vm0, $0xb8;
	[tilespmem:$0x10880] =	vst v63  }
0x61: {  	_ = 	snop  }
0x62: {  	[tilespmem:s2], [sflag:$0x1] =	stream.indirect_vreg.gather [hbm4b:s9+s22], $0x80, v3, vm0, $0xb8;
	[tilespmem:$0x10880] =	vst v63  }
0x63: {  	v3 =	vld [tilespmem:$0x40];
	_ =	sdelay $0x4  }
0x64: {  	v4 =	vshrl.u32 v3, $0x3  }
0x65: {  	v4 =	vmul.u32 $0x30, v4  }
0x66: {  	v3 =	vand.u32 $0x7, v3  }
0x67: {  	v3 =	vor.u32 v3, v4  }
0x68: {  	v4 =	vperm.xlane v3, v0;
	_ =	sdelay $0x1  }
0x69: {  	v4 =	vadd.s32 v1, v4;
	_ =	sdelay $0x3  }
0x6a: {  	v3 =	vperm.xlane v3, v2  }
0x6b: {  	[tilespmem:s3], [sflag:$0x1] =	stream.indirect_vreg.gather [hbm4b:s6+s22], $0x80, v4, vm0, $0xb8;
	[tilespmem:$0x10880] =	vst v63  }
0x6c: {  	v3 =	vadd.s32 v1, v3  }
0x6d: {  	[tilespmem:s12], [sflag:$0x1] =	stream.indirect_vreg.gather [hbm4b:s8+s22], $0x80, v4, vm0, $0xb8;
	[tilespmem:$0x10880] =	vst v63  }
0x6e: {  	_ = 	snop  }
0x6f: {  	[tilespmem:s13], [sflag:$0x1] =	stream.indirect_vreg.gather [hbm4b:s9+s22], $0x80, v4, vm0, $0xb8;
	[tilespmem:$0x10880] =	vst v63  }
0x70: {  	_ = 	snop  }
0x71: {  	[tilespmem:s14], [sflag:$0x1] =	stream.indirect_vreg.gather [hbm4b:s6+s22], $0x80, v3, vm0, $0xb8;
	[tilespmem:$0x10880] =	vst v63  }
0x72: {  	_ = 	snop  }
0x73: {  	[tilespmem:s15], [sflag:$0x1] =	stream.indirect_vreg.gather [hbm4b:s8+s22], $0x80, v3, vm0, $0xb8;
	[tilespmem:$0x10880] =	vst v63  }
0x74: {  	_ = 	snop  }
0x75: {  	[tilespmem:s16], [sflag:$0x1] =	stream.indirect_vreg.gather [hbm4b:s9+s22], $0x80, v3, vm0, $0xb8;
	[tilespmem:$0x10880] =	vst v63  }
0x76: {  	_ =	swait.ge [sflag:s17], $0xF000  }
0x77: {  	s20 =	sshrl.u32 s20, $0x3;
	[sflag:s17] =	ssyncset.done $0x0  }
0x78: {  	s20 =	smul.u32 $0x300, s20;
	[sflag:s17] =	ssyncadd.s32 $0xFFFF1000  }
0x79: {  	s24 =	rddreg [dreg:$0x1]  }
0x7a: {  	s21 =	sadd.s32 s24, s20  }
0x7b: {  	[tilespmem:s18], [sflag:$0x2] =	stream.linear.gather [hbm4b:s21+s22], $0x1800, $0x38;
	[tilespmem:$0x10880] =	vst v63  }
0x7c: {  	_ =	swait.ge [sflag:s11], $0x1800  }
0x7d: {  	s25 =	sand.u32 $0x70, s22;
	s23 =	sand.u32 $0x1C00, s22;
	[sflag:s11] =	ssyncset.done $0x0  }
0x7e: {  	s25 =	sor.u32 s25, s23;
	[sflag:s11] =	ssyncadd.s32 $0xFFFFE800  }
0x7f: {  	v3 =	vld [tilespmem:s25+$0x80]  }
0x80: {  	v4 =	vld [tilespmem:s25+$0xF080];
	_ =	sdelay $0x1  }
0x81: {  	v5 =	vld [tilespmem:s25+$0x100];
	_ =	sdelay $0x1  }
0x82: {  	v6 =	vld [tilespmem:s25+$0x180]  }
0x83: {  	v3 =	vadd.f32 v3, v4  }
0x84: {  	v4 =	vld [tilespmem:s25+$0x200]  }
0x85: {  	v3 =	vadd.f32 v5, v3  }
0x86: {  	v5 =	vld [tilespmem:s25+$0x280]  }
0x87: {  	v3 =	vadd.f32 v6, v3  }
0x88: {  	v62 =	vld [tilespmem:s25+$0x300]  }
0x89: {  	v3 =	vadd.f32 v4, v3  }
0x8a: {  	s26 =	sor.u32 s22, s22;
	v4 =	vld [tilespmem:s25+$0x380]  }
0x8b: {  	s21 =	sor.u32 $0x380, s26;
	v3 =	vadd.f32 v5, v3  }
0x8c: {  	v5 =	vld [tilespmem:s21+$0x80]  }
0x8d: {  	v3 =	vadd.f32 v62, v3  }
0x8e: {  	v63 =	vld [tilespmem:s25+$0x1880]  }
0x8f: {  	v3 =	vadd.f32 v4, v3  }
0x90: {  	v4 =	vld [tilespmem:s25+$0x1900]  }
0x91: {  	v3 =	vadd.f32 v5, v3;
	_ =	sdelay $0x1  }
0x92: {  	v3 =	vadd.f32 v63, v3  }
0x93: {  	s23 =	simm.s32 $0x10;
	s24 =	simm.s32 $0x80  }
0x94: {  	s22 =	sand.u32 $0x70, s23;
	s29 =	sand.u32 $0x1C00, s24;
	v3 =	vadd.f32 v4, v3  }
0x95: {  	s26 =	simm.s32 $0x20;
	s28 =	sor.u32 s22, s29;
	s21 =	smov.u32 s25  }
.LBB2_3:
0x96: {  	p0 =	sne.s32 s26, $0x2F0;
	v4 =	vld [tilespmem:s28+$0x80];
	[tilespmem:s21+$0xF080] =	vst v3;
	s21 =	smov.u32 s28  }
0x97: {  	v3 =	vld [tilespmem:s21+$0xF080];
	_ =	sdelay $0x1  }
0x98: {  	v5 =	vld [tilespmem:s21+$0x100];
	_ =	sdelay $0x1  }
0x99: {  	v6 =	vld [tilespmem:s21+$0x180]  }
0x9a: {  	v3 =	vadd.f32 v4, v3  }
0x9b: {  	v4 =	vld [tilespmem:s21+$0x200]  }
0x9c: {  	v3 =	vadd.f32 v5, v3  }
0x9d: {  	v5 =	vld [tilespmem:s21+$0x280]  }
0x9e: {  	v3 =	vadd.f32 v6, v3  }
0x9f: {  	v6 =	vld [tilespmem:s21+$0x300]  }
0xa0: {  	v3 =	vadd.f32 v4, v3  }
0xa1: {  	s28 =	sor.u32 s24, s23;
	s23 =	smov.u32 s26;
	v4 =	vld [tilespmem:s21+$0x380]  }
0xa2: {  	s28 =	sor.u32 $0x380, s28;
	v3 =	vadd.f32 v5, v3  }
0xa3: {  	v5 =	vld [tilespmem:s28+$0x80]  }
0xa4: {  	v3 =	vadd.f32 v6, v3  }
0xa5: {  	v6 =	vld [tilespmem:s21+$0x1880]  }
0xa6: {  	v3 =	vadd.f32 v4, v3  }
0xa7: {  	v4 =	vld [tilespmem:s21+$0x1900]  }
0xa8: {  	v3 =	vadd.f32 v5, v3  }
.Ltmp0:
0xa9: {  	(pc) =	sbr.rel @p0 .LBB2_3-.Ltmp0, $4  }
0xaa: {  	v3 =	vadd.f32 v6, v3  }
0xab: {  	s24 =	sadd.s32 $0x80, s24  }
0xac: {  	s29 =	sand.u32 $0x1C00, s24;
	s28 =	sand.u32 $0x70, s26;
	v3 =	vadd.f32 v4, v3  }
0xad: {  	s26 =	sadd.s32 $0x10, s26;
	s28 =	sor.u32 s28, s29  }
0xae: {  	v4 =	vld [tilespmem:s28+$0x80];
	[tilespmem:s21+$0xF080] =	vst v3  }
0xaf: {  	v3 =	vld [tilespmem:s28+$0xF080];
	_ =	sdelay $0x1  }
0xb0: {  	v5 =	vld [tilespmem:s28+$0x100];
	_ =	sdelay $0x1  }
0xb1: {  	v6 =	vld [tilespmem:s28+$0x180]  }
0xb2: {  	v3 =	vadd.f32 v4, v3  }
0xb3: {  	v4 =	vld [tilespmem:s28+$0x200]  }
0xb4: {  	v3 =	vadd.f32 v5, v3  }
0xb5: {  	v5 =	vld [tilespmem:s28+$0x280]  }
0xb6: {  	v3 =	vadd.f32 v6, v3  }
0xb7: {  	v59 =	vld [tilespmem:s28+$0x300]  }
0xb8: {  	v3 =	vadd.f32 v4, v3  }
0xb9: {  	s26 =	sor.u32 s24, s23;
	v4 =	vld [tilespmem:s28+$0x380]  }
0xba: {  	s21 =	sor.u32 $0x380, s26;
	v3 =	vadd.f32 v5, v3  }
0xbb: {  	v5 =	vld [tilespmem:s21+$0x80]  }
0xbc: {  	v3 =	vadd.f32 v59, v3  }
0xbd: {  	v60 =	vld [tilespmem:s28+$0x1880]  }
0xbe: {  	v3 =	vadd.f32 v4, v3  }
0xbf: {  	v4 =	vld [tilespmem:s28+$0x1900]  }
0xc0: {  	v3 =	vadd.f32 v5, v3;
	_ =	sdelay $0x1  }
0xc1: {  	v3 =	vadd.f32 v60, v3;
	_ =	sdelay $0x1  }
0xc2: {  	v3 =	vadd.f32 v4, v3;
	_ =	sdelay $0x1  }
0xc3: {  	[tilespmem:s28+$0xF080] =	vst v3  }
0xc4: {  	v3 =	vld [tilespmem:s25+$0x1980]  }
0xc5: {  	v4 =	vld [tilespmem:s25+$0xF100];
	_ =	sdelay $0x1  }
0xc6: {  	v5 =	vld [tilespmem:s25+$0x1A00];
	_ =	sdelay $0x1  }
0xc7: {  	v61 =	vld [tilespmem:s25+$0x1A80]  }
0xc8: {  	v3 =	vadd.f32 v3, v4  }
0xc9: {  	v4 =	vld [tilespmem:s25+$0x1B00]  }
0xca: {  	v3 =	vadd.f32 v5, v3  }
0xcb: {  	v5 =	vld [tilespmem:s25+$0x1B80]  }
0xcc: {  	v3 =	vadd.f32 v61, v3  }
0xcd: {  	v62 =	vld [tilespmem:s25+$0x1C00]  }
0xce: {  	v3 =	vadd.f32 v4, v3  }
0xcf: {  	v4 =	vld [tilespmem:s25+$0x3080]  }
0xd0: {  	v3 =	vadd.f32 v5, v3  }
0xd1: {  	v5 =	vld [tilespmem:s25+$0x3100]  }
0xd2: {  	v3 =	vadd.f32 v62, v3  }
0xd3: {  	v63 =	vld [tilespmem:s25+$0x3180]  }
0xd4: {  	v3 =	vadd.f32 v4, v3  }
0xd5: {  	v4 =	vld [tilespmem:s25+$0x3200]  }
0xd6: {  	v3 =	vadd.f32 v5, v3;
	_ =	sdelay $0x1  }
0xd7: {  	v3 =	vadd.f32 v63, v3  }
0xd8: {  	s21 =	simm.s32 $0x80  }
0xd9: {  	s29 =	sand.u32 $0x1C00, s21;
	v3 =	vadd.f32 v4, v3  }
0xda: {  	s23 =	sor.u32 s22, s29;
	s22 =	simm.s32 $0x20  }
.LBB2_5:
0xdb: {  	p0 =	sne.s32 s22, $0x2F0;
	v4 =	vld [tilespmem:s23+$0x1980];
	[tilespmem:s25+$0xF100] =	vst v3;
	s25 =	smov.u32 s23  }
0xdc: {  	v3 =	vld [tilespmem:s25+$0xF100];
	_ =	sdelay $0x1  }
0xdd: {  	v5 =	vld [tilespmem:s25+$0x1A00];
	_ =	sdelay $0x1  }
0xde: {  	v6 =	vld [tilespmem:s25+$0x1A80]  }
0xdf: {  	v3 =	vadd.f32 v4, v3  }
0xe0: {  	v4 =	vld [tilespmem:s25+$0x1B00]  }
0xe1: {  	v3 =	vadd.f32 v5, v3  }
0xe2: {  	v5 =	vld [tilespmem:s25+$0x1B80]  }
0xe3: {  	v3 =	vadd.f32 v6, v3  }
0xe4: {  	v6 =	vld [tilespmem:s25+$0x1C00]  }
0xe5: {  	v3 =	vadd.f32 v4, v3  }
0xe6: {  	v4 =	vld [tilespmem:s25+$0x3080]  }
0xe7: {  	v3 =	vadd.f32 v5, v3  }
0xe8: {  	v5 =	vld [tilespmem:s25+$0x3100]  }
0xe9: {  	v3 =	vadd.f32 v6, v3  }
0xea: {  	v6 =	vld [tilespmem:s25+$0x3180]  }
0xeb: {  	v3 =	vadd.f32 v4, v3  }
0xec: {  	v4 =	vld [tilespmem:s25+$0x3200]  }
0xed: {  	v3 =	vadd.f32 v5, v3  }
.Ltmp1:
0xee: {  	(pc) =	sbr.rel @p0 .LBB2_5-.Ltmp1, $4  }
0xef: {  	v3 =	vadd.f32 v6, v3  }
0xf0: {  	s21 =	sadd.s32 $0x80, s21  }
0xf1: {  	s23 =	sand.u32 $0x70, s22;
	s24 =	sand.u32 $0x1C00, s21;
	v3 =	vadd.f32 v4, v3  }
0xf2: {  	s22 =	sadd.s32 $0x10, s22;
	s23 =	sor.u32 s23, s24  }
0xf3: {  	v4 =	vld [tilespmem:s23+$0x1980];
	[tilespmem:s25+$0xF100] =	vst v3  }
0xf4: {  	v3 =	vld [tilespmem:s23+$0xF100];
	_ =	sdelay $0x1  }
0xf5: {  	v5 =	vld [tilespmem:s23+$0x1A00];
	_ =	sdelay $0x1  }
0xf6: {  	v6 =	vld [tilespmem:s23+$0x1A80]  }
0xf7: {  	v3 =	vadd.f32 v4, v3  }
0xf8: {  	v4 =	vld [tilespmem:s23+$0x1B00]  }
0xf9: {  	v3 =	vadd.f32 v5, v3  }
0xfa: {  	v5 =	vld [tilespmem:s23+$0x1B80]  }
0xfb: {  	v3 =	vadd.f32 v6, v3  }
0xfc: {  	v59 =	vld [tilespmem:s23+$0x1C00]  }
0xfd: {  	v3 =	vadd.f32 v4, v3  }
0xfe: {  	v4 =	vld [tilespmem:s23+$0x3080]  }
0xff: {  	v3 =	vadd.f32 v5, v3  }
0x100: {  	v5 =	vld [tilespmem:s23+$0x3100]  }
0x101: {  	v3 =	vadd.f32 v59, v3  }
0x102: {  	v60 =	vld [tilespmem:s23+$0x3180]  }
0x103: {  	v3 =	vadd.f32 v4, v3  }
0x104: {  	v4 =	vld [tilespmem:s23+$0x3200]  }
0x105: {  	v3 =	vadd.f32 v5, v3;
	_ =	sdelay $0x1  }
0x106: {  	v3 =	vadd.f32 v60, v3;
	_ =	sdelay $0x1  }
0x107: {  	s21 =	simm.s32 $0x0;
	v3 =	vadd.f32 v4, v3  }
0x108: {  	s22 =	sand.u32 $0x70, s21;
	s21 =	sand.u32 $0x1C00, s21  }
0x109: {  	s21 =	sor.u32 s22, s21;
	[tilespmem:s23+$0xF100] =	vst v3  }
0x10a: {  	v3 =	vld [tilespmem:s21+$0x3280]  }
0x10b: {  	v4 =	vld [tilespmem:s21+$0xF180];
	_ =	sdelay $0x1  }
0x10c: {  	v5 =	vld [tilespmem:s21+$0x3300];
	_ =	sdelay $0x1  }
0x10d: {  	v61 =	vld [tilespmem:s21+$0x3380]  }
0x10e: {  	v3 =	vadd.f32 v3, v4  }
0x10f: {  	v4 =	vld [tilespmem:s21+$0x3400]  }
0x110: {  	v3 =	vadd.f32 v5, v3  }
0x111: {  	v5 =	vld [tilespmem:s21+$0x4880]  }
0x112: {  	v3 =	vadd.f32 v61, v3  }
0x113: {  	v62 =	vld [tilespmem:s21+$0x4900]  }
0x114: {  	v3 =	vadd.f32 v4, v3  }
0x115: {  	v4 =	vld [tilespmem:s21+$0x4980]  }
0x116: {  	v3 =	vadd.f32 v5, v3  }
0x117: {  	v5 =	vld [tilespmem:s21+$0x4A00]  }
0x118: {  	v3 =	vadd.f32 v62, v3  }
0x119: {  	v63 =	vld [tilespmem:s21+$0x4A80]  }
0x11a: {  	v3 =	vadd.f32 v4, v3  }
0x11b: {  	v4 =	vld [tilespmem:s21+$0x4B00]  }
0x11c: {  	v3 =	vadd.f32 v5, v3;
	_ =	sdelay $0x1  }
0x11d: {  	v3 =	vadd.f32 v63, v3  }
0x11e: {  	s29 =	simm.s32 $0x10;
	s23 =	simm.s32 $0x80  }
0x11f: {  	s22 =	sand.u32 $0x70, s29;
	s24 =	sand.u32 $0x1C00, s23;
	v3 =	vadd.f32 v4, v3  }
0x120: {  	s25 =	simm.s32 $0x20;
	s26 =	sor.u32 s22, s24;
	s24 =	smov.u32 s21  }
.LBB2_7:
0x121: {  	p0 =	sne.s32 s25, $0x2F0;
	v4 =	vld [tilespmem:s26+$0x3280];
	[tilespmem:s24+$0xF180] =	vst v3;
	s24 =	smov.u32 s26  }
0x122: {  	v3 =	vld [tilespmem:s24+$0xF180];
	_ =	sdelay $0x1  }
0x123: {  	v5 =	vld [tilespmem:s24+$0x3300];
	_ =	sdelay $0x1  }
0x124: {  	v6 =	vld [tilespmem:s24+$0x3380]  }
0x125: {  	v3 =	vadd.f32 v4, v3  }
0x126: {  	v4 =	vld [tilespmem:s24+$0x3400]  }
0x127: {  	v3 =	vadd.f32 v5, v3  }
0x128: {  	v5 =	vld [tilespmem:s24+$0x4880]  }
0x129: {  	v3 =	vadd.f32 v6, v3  }
0x12a: {  	v6 =	vld [tilespmem:s24+$0x4900]  }
0x12b: {  	v3 =	vadd.f32 v4, v3  }
0x12c: {  	v4 =	vld [tilespmem:s24+$0x4980]  }
0x12d: {  	v3 =	vadd.f32 v5, v3  }
0x12e: {  	v5 =	vld [tilespmem:s24+$0x4A00]  }
0x12f: {  	v3 =	vadd.f32 v6, v3  }
0x130: {  	v6 =	vld [tilespmem:s24+$0x4A80]  }
0x131: {  	v3 =	vadd.f32 v4, v3  }
0x132: {  	v4 =	vld [tilespmem:s24+$0x4B00]  }
0x133: {  	v3 =	vadd.f32 v5, v3  }
.Ltmp2:
0x134: {  	(pc) =	sbr.rel @p0 .LBB2_7-.Ltmp2, $4  }
0x135: {  	v3 =	vadd.f32 v6, v3  }
0x136: {  	s23 =	sadd.s32 $0x80, s23  }
0x137: {  	s26 =	sand.u32 $0x70, s25;
	s28 =	sand.u32 $0x1C00, s23;
	v3 =	vadd.f32 v4, v3  }
0x138: {  	s25 =	sadd.s32 $0x10, s25;
	s26 =	sor.u32 s26, s28  }
0x139: {  	v4 =	vld [tilespmem:s26+$0x3280];
	[tilespmem:s24+$0xF180] =	vst v3  }
0x13a: {  	v3 =	vld [tilespmem:s26+$0xF180];
	_ =	sdelay $0x1  }
0x13b: {  	v5 =	vld [tilespmem:s26+$0x3300];
	_ =	sdelay $0x1  }
0x13c: {  	v6 =	vld [tilespmem:s26+$0x3380]  }
0x13d: {  	v3 =	vadd.f32 v4, v3  }
0x13e: {  	v4 =	vld [tilespmem:s26+$0x3400]  }
0x13f: {  	v3 =	vadd.f32 v5, v3  }
0x140: {  	v5 =	vld [tilespmem:s26+$0x4880]  }
0x141: {  	v3 =	vadd.f32 v6, v3  }
0x142: {  	v59 =	vld [tilespmem:s26+$0x4900]  }
0x143: {  	v3 =	vadd.f32 v4, v3  }
0x144: {  	v4 =	vld [tilespmem:s26+$0x4980]  }
0x145: {  	v3 =	vadd.f32 v5, v3  }
0x146: {  	v5 =	vld [tilespmem:s26+$0x4A00]  }
0x147: {  	v3 =	vadd.f32 v59, v3  }
0x148: {  	v60 =	vld [tilespmem:s26+$0x4A80]  }
0x149: {  	v3 =	vadd.f32 v4, v3  }
0x14a: {  	v4 =	vld [tilespmem:s26+$0x4B00]  }
0x14b: {  	v3 =	vadd.f32 v5, v3;
	_ =	sdelay $0x1  }
0x14c: {  	v3 =	vadd.f32 v60, v3;
	_ =	sdelay $0x1  }
0x14d: {  	v3 =	vadd.f32 v4, v3;
	_ =	sdelay $0x1  }
0x14e: {  	[tilespmem:s26+$0xF180] =	vst v3  }
0x14f: {  	v3 =	vld [tilespmem:s21+$0x4B80]  }
0x150: {  	v4 =	vld [tilespmem:s21+$0xF200];
	_ =	sdelay $0x1  }
0x151: {  	v5 =	vld [tilespmem:s21+$0x4C00];
	_ =	sdelay $0x1  }
0x152: {  	v61 =	vld [tilespmem:s21+$0x6080]  }
0x153: {  	v3 =	vadd.f32 v3, v4  }
0x154: {  	v4 =	vld [tilespmem:s21+$0x6100]  }
0x155: {  	v3 =	vadd.f32 v5, v3  }
0x156: {  	v5 =	vld [tilespmem:s21+$0x6180]  }
0x157: {  	v3 =	vadd.f32 v61, v3  }
0x158: {  	v62 =	vld [tilespmem:s21+$0x6200]  }
0x159: {  	v3 =	vadd.f32 v4, v3  }
0x15a: {  	v4 =	vld [tilespmem:s21+$0x6280]  }
0x15b: {  	v3 =	vadd.f32 v5, v3  }
0x15c: {  	v5 =	vld [tilespmem:s21+$0x6300]  }
0x15d: {  	v3 =	vadd.f32 v62, v3  }
0x15e: {  	v63 =	vld [tilespmem:s21+$0x6380]  }
0x15f: {  	v3 =	vadd.f32 v4, v3  }
0x160: {  	v4 =	vld [tilespmem:s21+$0x6400]  }
0x161: {  	v3 =	vadd.f32 v5, v3;
	_ =	sdelay $0x1  }
0x162: {  	v3 =	vadd.f32 v63, v3  }
0x163: {  	s23 =	simm.s32 $0x80  }
0x164: {  	s29 =	sand.u32 $0x1C00, s23;
	v3 =	vadd.f32 v4, v3  }
0x165: {  	s24 =	sor.u32 s22, s29;
	s22 =	simm.s32 $0x20  }
.LBB2_9:
0x166: {  	p0 =	sne.s32 s22, $0x2F0;
	v4 =	vld [tilespmem:s24+$0x4B80];
	[tilespmem:s21+$0xF200] =	vst v3;
	s21 =	smov.u32 s24  }
0x167: {  	v3 =	vld [tilespmem:s21+$0xF200];
	_ =	sdelay $0x1  }
0x168: {  	v5 =	vld [tilespmem:s21+$0x4C00];
	_ =	sdelay $0x1  }
0x169: {  	v6 =	vld [tilespmem:s21+$0x6080]  }
0x16a: {  	v3 =	vadd.f32 v4, v3  }
0x16b: {  	v4 =	vld [tilespmem:s21+$0x6100]  }
0x16c: {  	v3 =	vadd.f32 v5, v3  }
0x16d: {  	v5 =	vld [tilespmem:s21+$0x6180]  }
0x16e: {  	v3 =	vadd.f32 v6, v3  }
0x16f: {  	v6 =	vld [tilespmem:s21+$0x6200]  }
0x170: {  	v3 =	vadd.f32 v4, v3  }
0x171: {  	v4 =	vld [tilespmem:s21+$0x6280]  }
0x172: {  	v3 =	vadd.f32 v5, v3  }
0x173: {  	v5 =	vld [tilespmem:s21+$0x6300]  }
0x174: {  	v3 =	vadd.f32 v6, v3  }
0x175: {  	v6 =	vld [tilespmem:s21+$0x6380]  }
0x176: {  	v3 =	vadd.f32 v4, v3  }
0x177: {  	v4 =	vld [tilespmem:s21+$0x6400]  }
0x178: {  	v3 =	vadd.f32 v5, v3  }
.Ltmp3:
0x179: {  	(pc) =	sbr.rel @p0 .LBB2_9-.Ltmp3, $4  }
0x17a: {  	v3 =	vadd.f32 v6, v3  }
0x17b: {  	s23 =	sadd.s32 $0x80, s23  }
0x17c: {  	s24 =	sand.u32 $0x70, s22;
	s25 =	sand.u32 $0x1C00, s23;
	v3 =	vadd.f32 v4, v3  }
0x17d: {  	s22 =	sadd.s32 $0x10, s22;
	s24 =	sor.u32 s24, s25  }
0x17e: {  	v4 =	vld [tilespmem:s24+$0x4B80];
	[tilespmem:s21+$0xF200] =	vst v3  }
0x17f: {  	v3 =	vld [tilespmem:s24+$0xF200];
	_ =	sdelay $0x1  }
0x180: {  	v5 =	vld [tilespmem:s24+$0x4C00];
	_ =	sdelay $0x1  }
0x181: {  	v6 =	vld [tilespmem:s24+$0x6080]  }
0x182: {  	v3 =	vadd.f32 v4, v3  }
0x183: {  	v4 =	vld [tilespmem:s24+$0x6100]  }
0x184: {  	v3 =	vadd.f32 v5, v3  }
0x185: {  	v5 =	vld [tilespmem:s24+$0x6180]  }
0x186: {  	v3 =	vadd.f32 v6, v3  }
0x187: {  	v59 =	vld [tilespmem:s24+$0x6200]  }
0x188: {  	v3 =	vadd.f32 v4, v3  }
0x189: {  	v4 =	vld [tilespmem:s24+$0x6280]  }
0x18a: {  	v3 =	vadd.f32 v5, v3  }
0x18b: {  	v5 =	vld [tilespmem:s24+$0x6300]  }
0x18c: {  	v3 =	vadd.f32 v59, v3  }
0x18d: {  	v60 =	vld [tilespmem:s24+$0x6380]  }
0x18e: {  	v3 =	vadd.f32 v4, v3  }
0x18f: {  	v4 =	vld [tilespmem:s24+$0x6400]  }
0x190: {  	v3 =	vadd.f32 v5, v3;
	_ =	sdelay $0x1  }
0x191: {  	v3 =	vadd.f32 v60, v3;
	_ =	sdelay $0x1  }
0x192: {  	s26 =	simm.s32 $0x0;
	v3 =	vadd.f32 v4, v3  }
0x193: {  	s22 =	sand.u32 $0x70, s26;
	s21 =	sand.u32 $0x1C00, s26  }
0x194: {  	s21 =	sor.u32 s22, s21;
	[tilespmem:s24+$0xF200] =	vst v3  }
0x195: {  	v3 =	vld [tilespmem:s21+$0x7880]  }
0x196: {  	v4 =	vld [tilespmem:s21+$0xF280];
	_ =	sdelay $0x1  }
0x197: {  	v5 =	vld [tilespmem:s21+$0x7900];
	_ =	sdelay $0x1  }
0x198: {  	v61 =	vld [tilespmem:s21+$0x7980]  }
0x199: {  	v3 =	vadd.f32 v3, v4  }
0x19a: {  	v4 =	vld [tilespmem:s21+$0x7A00]  }
0x19b: {  	v3 =	vadd.f32 v5, v3  }
0x19c: {  	v5 =	vld [tilespmem:s21+$0x7A80]  }
0x19d: {  	v3 =	vadd.f32 v61, v3  }
0x19e: {  	v62 =	vld [tilespmem:s21+$0x7B00]  }
0x19f: {  	v3 =	vadd.f32 v4, v3  }
0x1a0: {  	v4 =	vld [tilespmem:s21+$0x7B80]  }
0x1a1: {  	v3 =	vadd.f32 v5, v3  }
0x1a2: {  	v5 =	vld [tilespmem:s21+$0x7C00]  }
0x1a3: {  	v3 =	vadd.f32 v62, v3  }
0x1a4: {  	v63 =	vld [tilespmem:s21+$0x9080]  }
0x1a5: {  	v3 =	vadd.f32 v4, v3  }
0x1a6: {  	v4 =	vld [tilespmem:s21+$0x9100]  }
0x1a7: {  	v3 =	vadd.f32 v5, v3;
	_ =	sdelay $0x1  }
0x1a8: {  	v3 =	vadd.f32 v63, v3  }
0x1a9: {  	s28 =	simm.s32 $0x10;
	s23 =	simm.s32 $0x80  }
0x1aa: {  	s29 =	sand.u32 $0x1C00, s23;
	s22 =	sand.u32 $0x70, s28;
	v3 =	vadd.f32 v4, v3  }
0x1ab: {  	s25 =	simm.s32 $0x20;
	s26 =	sor.u32 s22, s29;
	s24 =	smov.u32 s21  }
.LBB2_11:
0x1ac: {  	p0 =	sne.s32 s25, $0x2F0;
	v4 =	vld [tilespmem:s26+$0x7880];
	[tilespmem:s24+$0xF280] =	vst v3;
	s24 =	smov.u32 s26  }
0x1ad: {  	v3 =	vld [tilespmem:s24+$0xF280];
	_ =	sdelay $0x1  }
0x1ae: {  	v5 =	vld [tilespmem:s24+$0x7900];
	_ =	sdelay $0x1  }
0x1af: {  	v6 =	vld [tilespmem:s24+$0x7980]  }
0x1b0: {  	v3 =	vadd.f32 v4, v3  }
0x1b1: {  	v4 =	vld [tilespmem:s24+$0x7A00]  }
0x1b2: {  	v3 =	vadd.f32 v5, v3  }
0x1b3: {  	v5 =	vld [tilespmem:s24+$0x7A80]  }
0x1b4: {  	v3 =	vadd.f32 v6, v3  }
0x1b5: {  	v6 =	vld [tilespmem:s24+$0x7B00]  }
0x1b6: {  	v3 =	vadd.f32 v4, v3  }
0x1b7: {  	v4 =	vld [tilespmem:s24+$0x7B80]  }
0x1b8: {  	v3 =	vadd.f32 v5, v3  }
0x1b9: {  	v5 =	vld [tilespmem:s24+$0x7C00]  }
0x1ba: {  	v3 =	vadd.f32 v6, v3  }
0x1bb: {  	v6 =	vld [tilespmem:s24+$0x9080]  }
0x1bc: {  	v3 =	vadd.f32 v4, v3  }
0x1bd: {  	v4 =	vld [tilespmem:s24+$0x9100]  }
0x1be: {  	v3 =	vadd.f32 v5, v3  }
.Ltmp4:
0x1bf: {  	(pc) =	sbr.rel @p0 .LBB2_11-.Ltmp4, $4  }
0x1c0: {  	v3 =	vadd.f32 v6, v3  }
0x1c1: {  	s23 =	sadd.s32 $0x80, s23  }
0x1c2: {  	s26 =	sand.u32 $0x70, s25;
	s28 =	sand.u32 $0x1C00, s23;
	v3 =	vadd.f32 v4, v3  }
0x1c3: {  	s25 =	sadd.s32 $0x10, s25;
	s26 =	sor.u32 s26, s28  }
0x1c4: {  	v4 =	vld [tilespmem:s26+$0x7880];
	[tilespmem:s24+$0xF280] =	vst v3  }
0x1c5: {  	v3 =	vld [tilespmem:s26+$0xF280];
	_ =	sdelay $0x1  }
0x1c6: {  	v5 =	vld [tilespmem:s26+$0x7900];
	_ =	sdelay $0x1  }
0x1c7: {  	v6 =	vld [tilespmem:s26+$0x7980]  }
0x1c8: {  	v3 =	vadd.f32 v4, v3  }
0x1c9: {  	v4 =	vld [tilespmem:s26+$0x7A00]  }
0x1ca: {  	v3 =	vadd.f32 v5, v3  }
0x1cb: {  	v5 =	vld [tilespmem:s26+$0x7A80]  }
0x1cc: {  	v3 =	vadd.f32 v6, v3  }
0x1cd: {  	v59 =	vld [tilespmem:s26+$0x7B00]  }
0x1ce: {  	v3 =	vadd.f32 v4, v3  }
0x1cf: {  	v4 =	vld [tilespmem:s26+$0x7B80]  }
0x1d0: {  	v3 =	vadd.f32 v5, v3  }
0x1d1: {  	v5 =	vld [tilespmem:s26+$0x7C00]  }
0x1d2: {  	v3 =	vadd.f32 v59, v3  }
0x1d3: {  	v60 =	vld [tilespmem:s26+$0x9080]  }
0x1d4: {  	v3 =	vadd.f32 v4, v3  }
0x1d5: {  	v4 =	vld [tilespmem:s26+$0x9100]  }
0x1d6: {  	v3 =	vadd.f32 v5, v3;
	_ =	sdelay $0x1  }
0x1d7: {  	v3 =	vadd.f32 v60, v3;
	_ =	sdelay $0x1  }
0x1d8: {  	v3 =	vadd.f32 v4, v3;
	_ =	sdelay $0x1  }
0x1d9: {  	[tilespmem:s26+$0xF280] =	vst v3  }
0x1da: {  	v3 =	vld [tilespmem:s21+$0x9180]  }
0x1db: {  	v4 =	vld [tilespmem:s21+$0xF300];
	_ =	sdelay $0x1  }
0x1dc: {  	v5 =	vld [tilespmem:s21+$0x9200];
	_ =	sdelay $0x1  }
0x1dd: {  	v61 =	vld [tilespmem:s21+$0x9280]  }
0x1de: {  	v3 =	vadd.f32 v3, v4  }
0x1df: {  	v4 =	vld [tilespmem:s21+$0x9300]  }
0x1e0: {  	v3 =	vadd.f32 v5, v3  }
0x1e1: {  	v5 =	vld [tilespmem:s21+$0x9380]  }
0x1e2: {  	v3 =	vadd.f32 v61, v3  }
0x1e3: {  	v62 =	vld [tilespmem:s21+$0x9400]  }
0x1e4: {  	v3 =	vadd.f32 v4, v3  }
0x1e5: {  	v4 =	vld [tilespmem:s21+$0xA880]  }
0x1e6: {  	v3 =	vadd.f32 v5, v3  }
0x1e7: {  	v5 =	vld [tilespmem:s21+$0xA900]  }
0x1e8: {  	v3 =	vadd.f32 v62, v3  }
0x1e9: {  	v63 =	vld [tilespmem:s21+$0xA980]  }
0x1ea: {  	v3 =	vadd.f32 v4, v3  }
0x1eb: {  	v4 =	vld [tilespmem:s21+$0xAA00]  }
0x1ec: {  	v3 =	vadd.f32 v5, v3;
	_ =	sdelay $0x1  }
0x1ed: {  	v3 =	vadd.f32 v63, v3  }
0x1ee: {  	s23 =	simm.s32 $0x80  }
0x1ef: {  	s29 =	sand.u32 $0x1C00, s23;
	v3 =	vadd.f32 v4, v3  }
0x1f0: {  	s24 =	sor.u32 s22, s29;
	s22 =	simm.s32 $0x20  }
.LBB2_13:
0x1f1: {  	p0 =	sne.s32 s22, $0x2F0;
	v4 =	vld [tilespmem:s24+$0x9180];
	[tilespmem:s21+$0xF300] =	vst v3;
	s21 =	smov.u32 s24  }
0x1f2: {  	v3 =	vld [tilespmem:s21+$0xF300];
	_ =	sdelay $0x1  }
0x1f3: {  	v5 =	vld [tilespmem:s21+$0x9200];
	_ =	sdelay $0x1  }
0x1f4: {  	v6 =	vld [tilespmem:s21+$0x9280]  }
0x1f5: {  	v3 =	vadd.f32 v4, v3  }
0x1f6: {  	v4 =	vld [tilespmem:s21+$0x9300]  }
0x1f7: {  	v3 =	vadd.f32 v5, v3  }
0x1f8: {  	v5 =	vld [tilespmem:s21+$0x9380]  }
0x1f9: {  	v3 =	vadd.f32 v6, v3  }
0x1fa: {  	v6 =	vld [tilespmem:s21+$0x9400]  }
0x1fb: {  	v3 =	vadd.f32 v4, v3  }
0x1fc: {  	v4 =	vld [tilespmem:s21+$0xA880]  }
0x1fd: {  	v3 =	vadd.f32 v5, v3  }
0x1fe: {  	v5 =	vld [tilespmem:s21+$0xA900]  }
0x1ff: {  	v3 =	vadd.f32 v6, v3  }
0x200: {  	v6 =	vld [tilespmem:s21+$0xA980]  }
0x201: {  	v3 =	vadd.f32 v4, v3  }
0x202: {  	v4 =	vld [tilespmem:s21+$0xAA00]  }
0x203: {  	v3 =	vadd.f32 v5, v3  }
.Ltmp5:
0x204: {  	(pc) =	sbr.rel @p0 .LBB2_13-.Ltmp5, $4  }
0x205: {  	v3 =	vadd.f32 v6, v3  }
0x206: {  	s23 =	sadd.s32 $0x80, s23  }
0x207: {  	s24 =	sand.u32 $0x70, s22;
	s25 =	sand.u32 $0x1C00, s23;
	v3 =	vadd.f32 v4, v3  }
0x208: {  	s22 =	sadd.s32 $0x10, s22;
	s24 =	sor.u32 s24, s25  }
0x209: {  	v4 =	vld [tilespmem:s24+$0x9180];
	[tilespmem:s21+$0xF300] =	vst v3  }
0x20a: {  	v3 =	vld [tilespmem:s24+$0xF300];
	_ =	sdelay $0x1  }
0x20b: {  	v5 =	vld [tilespmem:s24+$0x9200];
	_ =	sdelay $0x1  }
0x20c: {  	v6 =	vld [tilespmem:s24+$0x9280]  }
0x20d: {  	v3 =	vadd.f32 v4, v3  }
0x20e: {  	v4 =	vld [tilespmem:s24+$0x9300]  }
0x20f: {  	v3 =	vadd.f32 v5, v3  }
0x210: {  	v5 =	vld [tilespmem:s24+$0x9380]  }
0x211: {  	v3 =	vadd.f32 v6, v3  }
0x212: {  	v59 =	vld [tilespmem:s24+$0x9400]  }
0x213: {  	v3 =	vadd.f32 v4, v3  }
0x214: {  	v4 =	vld [tilespmem:s24+$0xA880]  }
0x215: {  	v3 =	vadd.f32 v5, v3  }
0x216: {  	v5 =	vld [tilespmem:s24+$0xA900]  }
0x217: {  	v3 =	vadd.f32 v59, v3  }
0x218: {  	v60 =	vld [tilespmem:s24+$0xA980]  }
0x219: {  	v3 =	vadd.f32 v4, v3  }
0x21a: {  	v4 =	vld [tilespmem:s24+$0xAA00]  }
0x21b: {  	v3 =	vadd.f32 v5, v3;
	_ =	sdelay $0x1  }
0x21c: {  	v3 =	vadd.f32 v60, v3;
	_ =	sdelay $0x1  }
0x21d: {  	s22 =	simm.s32 $0x0;
	v3 =	vadd.f32 v4, v3  }
0x21e: {  	s29 =	sand.u32 $0x70, s22;
	s23 =	sand.u32 $0x1C00, s22  }
0x21f: {  	s21 =	sor.u32 s29, s23;
	[tilespmem:s24+$0xF300] =	vst v3  }
0x220: {  	v3 =	vld [tilespmem:s21+$0xAA80]  }
0x221: {  	v4 =	vld [tilespmem:s21+$0xF380];
	_ =	sdelay $0x1  }
0x222: {  	v5 =	vld [tilespmem:s21+$0xAB00];
	_ =	sdelay $0x1  }
0x223: {  	v61 =	vld [tilespmem:s21+$0xAB80]  }
0x224: {  	v3 =	vadd.f32 v3, v4  }
0x225: {  	v4 =	vld [tilespmem:s21+$0xAC00]  }
0x226: {  	v3 =	vadd.f32 v5, v3  }
0x227: {  	v5 =	vld [tilespmem:s21+$0xC080]  }
0x228: {  	v3 =	vadd.f32 v61, v3  }
0x229: {  	v62 =	vld [tilespmem:s21+$0xC100]  }
0x22a: {  	v3 =	vadd.f32 v4, v3  }
0x22b: {  	v4 =	vld [tilespmem:s21+$0xC180]  }
0x22c: {  	v3 =	vadd.f32 v5, v3  }
0x22d: {  	v5 =	vld [tilespmem:s21+$0xC200]  }
0x22e: {  	v3 =	vadd.f32 v62, v3  }
0x22f: {  	v63 =	vld [tilespmem:s21+$0xC280]  }
0x230: {  	v3 =	vadd.f32 v4, v3  }
0x231: {  	v4 =	vld [tilespmem:s21+$0xC300]  }
0x232: {  	v3 =	vadd.f32 v5, v3;
	_ =	sdelay $0x1  }
0x233: {  	v3 =	vadd.f32 v63, v3  }
0x234: {  	s23 =	simm.s32 $0x10;
	s24 =	simm.s32 $0x80  }
0x235: {  	s25 =	sand.u32 $0x70, s23;
	s26 =	sand.u32 $0x1C00, s24;
	v3 =	vadd.f32 v4, v3  }
0x236: {  	s28 =	sor.u32 s25, s26;
	s26 =	simm.s32 $0x20;
	s25 =	smov.u32 s21  }
.LBB2_15:
0x237: {  	p0 =	sne.s32 s26, $0x2F0;
	v4 =	vld [tilespmem:s28+$0xAA80];
	[tilespmem:s25+$0xF380] =	vst v3;
	s25 =	smov.u32 s28  }
0x238: {  	v3 =	vld [tilespmem:s25+$0xF380];
	_ =	sdelay $0x1  }
0x239: {  	v5 =	vld [tilespmem:s25+$0xAB00];
	_ =	sdelay $0x1  }
0x23a: {  	v6 =	vld [tilespmem:s25+$0xAB80]  }
0x23b: {  	v3 =	vadd.f32 v4, v3  }
0x23c: {  	v4 =	vld [tilespmem:s25+$0xAC00]  }
0x23d: {  	v3 =	vadd.f32 v5, v3  }
0x23e: {  	v5 =	vld [tilespmem:s25+$0xC080]  }
0x23f: {  	v3 =	vadd.f32 v6, v3  }
0x240: {  	v6 =	vld [tilespmem:s25+$0xC100]  }
0x241: {  	v3 =	vadd.f32 v4, v3  }
0x242: {  	v4 =	vld [tilespmem:s25+$0xC180]  }
0x243: {  	v3 =	vadd.f32 v5, v3  }
0x244: {  	v5 =	vld [tilespmem:s25+$0xC200]  }
0x245: {  	v3 =	vadd.f32 v6, v3  }
0x246: {  	v6 =	vld [tilespmem:s25+$0xC280]  }
0x247: {  	v3 =	vadd.f32 v4, v3  }
0x248: {  	v4 =	vld [tilespmem:s25+$0xC300]  }
0x249: {  	v3 =	vadd.f32 v5, v3  }
.Ltmp6:
0x24a: {  	(pc) =	sbr.rel @p0 .LBB2_15-.Ltmp6, $4  }
0x24b: {  	v3 =	vadd.f32 v6, v3  }
0x24c: {  	s24 =	sadd.s32 $0x80, s24  }
0x24d: {  	s28 =	sand.u32 $0x70, s26;
	s29 =	sand.u32 $0x1C00, s24;
	v3 =	vadd.f32 v4, v3  }
0x24e: {  	s26 =	sadd.s32 $0x10, s26;
	s28 =	sor.u32 s28, s29  }
0x24f: {  	v4 =	vld [tilespmem:s28+$0xAA80];
	[tilespmem:s25+$0xF380] =	vst v3  }
0x250: {  	v3 =	vld [tilespmem:s28+$0xF380];
	_ =	sdelay $0x1  }
0x251: {  	v5 =	vld [tilespmem:s28+$0xAB00];
	_ =	sdelay $0x1  }
0x252: {  	v6 =	vld [tilespmem:s28+$0xAB80]  }
0x253: {  	v3 =	vadd.f32 v4, v3  }
0x254: {  	v57 =	vld [tilespmem:s28+$0xAC00]  }
0x255: {  	v3 =	vadd.f32 v5, v3  }
0x256: {  	v58 =	vld [tilespmem:s28+$0xC080]  }
0x257: {  	v3 =	vadd.f32 v6, v3  }
0x258: {  	v59 =	vld [tilespmem:s28+$0xC100]  }
0x259: {  	v3 =	vadd.f32 v57, v3  }
0x25a: {  	v60 =	vld [tilespmem:s28+$0xC180]  }
0x25b: {  	v3 =	vadd.f32 v58, v3  }
0x25c: {  	v61 =	vld [tilespmem:s28+$0xC200]  }
0x25d: {  	v3 =	vadd.f32 v59, v3  }
0x25e: {  	v62 =	vld [tilespmem:s28+$0xC280]  }
0x25f: {  	v3 =	vadd.f32 v60, v3  }
0x260: {  	v63 =	vld [tilespmem:s28+$0xC300]  }
0x261: {  	v3 =	vadd.f32 v61, v3;
	_ =	sdelay $0x1  }
0x262: {  	v3 =	vadd.f32 v62, v3;
	_ =	sdelay $0x1  }
0x263: {  	v3 =	vadd.f32 v63, v3;
	_ =	sdelay $0x1  }
0x264: {  	s24 =	sor.u32 s22, s22;
	[tilespmem:s28+$0xF380] =	vst v3  }
.LBB2_17:
0x265: {  	p0 =	sne.s32 s23, $0x2F0;
	s25 =	sor.u32 $0x380, s24;
	v3 =	vld [tilespmem:s21+$0xC380]  }
0x266: {  	v4 =	vld [tilespmem:s25+$0xF080];
	_ =	sdelay $0x1  }
0x267: {  	v5 =	vld [tilespmem:s21+$0xC400];
	_ =	sdelay $0x1  }
0x268: {  	v6 =	vld [tilespmem:s21+$0xD880]  }
0x269: {  	v3 =	vadd.f32 v3, v4  }
0x26a: {  	v4 =	vld [tilespmem:s21+$0xD900]  }
0x26b: {  	v3 =	vadd.f32 v5, v3  }
0x26c: {  	v5 =	vld [tilespmem:s21+$0xD980]  }
0x26d: {  	v3 =	vadd.f32 v6, v3  }
0x26e: {  	v6 =	vld [tilespmem:s21+$0xDA00]  }
0x26f: {  	v3 =	vadd.f32 v4, v3  }
0x270: {  	v4 =	vld [tilespmem:s21+$0xDA80]  }
0x271: {  	v3 =	vadd.f32 v5, v3  }
0x272: {  	v5 =	vld [tilespmem:s21+$0xDB00]  }
0x273: {  	v3 =	vadd.f32 v6, v3  }
0x274: {  	v6 =	vld [tilespmem:s21+$0xDB80]  }
0x275: {  	v3 =	vadd.f32 v4, v3  }
0x276: {  	v4 =	vld [tilespmem:s21+$0xDC00]  }
0x277: {  	v3 =	vadd.f32 v5, v3;
	_ =	sdelay $0x1  }
.Ltmp7:
0x278: {  	v3 =	vadd.f32 v6, v3;
	(pc) =	sbr.rel @p0 .LBB2_17-.Ltmp7, $4  }
0x279: {  	_ = 	snop  }
0x27a: {  	s22 =	sadd.s32 $0x80, s22;
	v3 =	vadd.f32 v4, v3  }
0x27b: {  	s26 =	sand.u32 $0x1C00, s22;
	s21 =	sand.u32 $0x70, s23  }
0x27c: {  	s24 =	sor.u32 s22, s23;
	s23 =	sadd.s32 $0x10, s23;
	s21 =	sor.u32 s21, s26;
	[tilespmem:s25+$0xF080] =	vst v3  }
0x27d: {  	s22 =	sor.u32 $0x380, s24;
	v3 =	vld [tilespmem:s21+$0xC380]  }
0x27e: {  	v4 =	vld [tilespmem:s22+$0xF080];
	_ =	sdelay $0x1  }
0x27f: {  	v5 =	vld [tilespmem:s21+$0xC400];
	_ =	sdelay $0x1  }
0x280: {  	v6 =	vld [tilespmem:s21+$0xD880]  }
0x281: {  	v3 =	vadd.f32 v3, v4  }
0x282: {  	v57 =	vld [tilespmem:s21+$0xD900]  }
0x283: {  	v3 =	vadd.f32 v5, v3  }
0x284: {  	v58 =	vld [tilespmem:s21+$0xD980]  }
0x285: {  	v3 =	vadd.f32 v6, v3  }
0x286: {  	v59 =	vld [tilespmem:s21+$0xDA00]  }
0x287: {  	v3 =	vadd.f32 v57, v3  }
0x288: {  	v60 =	vld [tilespmem:s21+$0xDA80]  }
0x289: {  	v3 =	vadd.f32 v58, v3  }
0x28a: {  	v61 =	vld [tilespmem:s21+$0xDB00]  }
0x28b: {  	v3 =	vadd.f32 v59, v3  }
0x28c: {  	v62 =	vld [tilespmem:s21+$0xDB80]  }
0x28d: {  	v3 =	vadd.f32 v60, v3  }
0x28e: {  	v63 =	vld [tilespmem:s21+$0xDC00]  }
0x28f: {  	v3 =	vadd.f32 v61, v3;
	_ =	sdelay $0x1  }
0x290: {  	v3 =	vadd.f32 v62, v3;
	_ =	sdelay $0x1  }
0x291: {  	s19 =	sadd.s32 $0x1, s19;
	v3 =	vadd.f32 v63, v3  }
0x292: {  	s28 =	rddreg [dreg:$0x2];
	p0 =	sne.s32 s19, $0x40  }
.Ltmp8:
0x293: {  	s29 =	simm.s32 $0x0;
	s20 =	sadd.s32 s28, s20;
	[tilespmem:s22+$0xF080] =	vst v3;
	(pc) =	sbr.rel @p0 .LBB2_2-.Ltmp8, $4  }
0x294: {  	[hbm4b:s20+s29] =	stream.linear.scatter [tilespmem:s18], [sflag:$0x2], $0x1800, $0x38;
	[tilespmem:$0x10880] =	vst v63  }
0x295: {  	_ =	swait.ge [sflag:s11], $0x1800  }
0x296: {  	[sflag:s11] =	ssyncset.done $0x0  }
0x297: {  	[sflag:s11] =	ssyncadd.s32 $0xFFFFE800  }
0x298: {  	s20 =	rddreg [dreg:$0x5]  }
0x299: {  	s19 =	rddreg [dreg:$0x4];
	s20 =	sadd.s32 $0x1, s20  }
0x29a: {  	p0 =	sne.s32 s20, s19  }
.Ltmp9:
0x29b: {  	_ = 	snop;
	(pc) =	sbr.rel @p0 .LBB2_1-.Ltmp9, $1  }
0x29c: {  	_ =	sdelay $0x3  }
0x29d: {  	_ =	sfence.sel $0x180000  }
0x29e: {  	[bflag:$0x0] =	sbarrier.arrive $0xFFFF  }
0x29f: {  	_ =	strace $0x90000047  }
0x2a0: {  	s0 =	stileid.u32;
	[bflag:$0x2] =	sbarrier.arrive $0xFFFF  }
0x2a1: {  	p0 =	sne.s32 s0, $0x0;
	s0 =	rddreg [dreg:$0x3]  }
0x2a2: {  	s0 =	sadd.s32 @!p0 $0x100000, s0  }
0x2a3: {  	[sflag:s0] =	ssyncadd.tile.s32 @!p0 $0x1;
	_ =	shalt  }
.Lfunc_end2:
_tile_overlayer_lowered:
.L_overlay_start_2:
0x2a4: {  	(tag) =	ssettag $0x2  }
0x2a5: {  	s0 =	rddreg [dreg:$0x0];
	s2 =	stileid.u32  }
0x2a6: {  	s1 =	rddreg [dreg:$0x1];
	p0 =	sne.s32 s2, $0x0  }
0x2a7: {  	s3 =	rddreg [dreg:$0x2];
	[bflag:$0x3] =	sbarrier.arrive $0xFFFF;
	s2 =	simm.s32 @!p0 $0x1C02  }
0x2a8: {  	[timem:s3], [sflag:s2] =	dma.local @!p0 [hbm:s0], s1  }
0x2a9: {  	s0 =	simm.s32 @!p0 $0x2  }
0x2aa: {  	_ =	swait.ge @!p0 [sflag:s0], s1  }
0x2ab: {  	s1 =	ssub.s32 @!p0 $0x0, s1;
	[sflag:s0] =	ssyncset.done @!p0 $0x0  }
0x2ac: {  	[sflag:s0] =	ssyncadd.s32 @!p0 s1  }
0x2ad: {  	[bflag:$0x3] =	sbarrier.arrive $0xFFFF  }
0x2ae: {  	_ =	shalt  }

</sc_bundles>
